<compile_context>
chip_gen: v7x
topology: tpu7x:2x2x1
jax: 0.10.2.dev20260603
libtpu: 0.0.44.dev20260713+nightly
codegen_flags: <defaults>
</compile_context>

<pallas_src>
import functools

import jax
import jax.numpy as jnp
from jax import lax
from jax.experimental import pallas as pl
from jax.experimental.pallas import tpu as pltpu
from jax.experimental.pallas import tpu_sc as plsc

L = 16


@functools.cache
def _make_bag_kernel(B, H, D):
    info = plsc.get_sparse_core_info()
    NC, NS = info.num_cores, info.num_subcores
    NW = NC * NS
    nb = B // NW
    HH = H // 2
    nd = D // L

    mesh = plsc.VectorSubcoreMesh(core_axis_name="c", subcore_axis_name="s")

    @functools.partial(
        pl.kernel,
        mesh=mesh,
        out_type=jax.ShapeDtypeStruct((B, D), jnp.float32),
        scratch_types=[
            pltpu.VMEM((nb, 2, HH), jnp.int32),
            pltpu.VMEM((4, HH, D), jnp.float32),
            pltpu.VMEM((nb, D), jnp.float32),
            pltpu.SemaphoreType.DMA,
            pltpu.SemaphoreType.DMA,
            pltpu.SemaphoreType.DMA,
            pltpu.SemaphoreType.DMA,
        ],
    )
    def bag_kernel(x_hbm, table_hbm, out_hbm, idx_v, rows_v, pooled_v,
                   s0, s1, s2, s3):
        sems = (s0, s1, s2, s3)
        wid = lax.axis_index("s") * NC + lax.axis_index("c")
        base = wid * nb
        pltpu.sync_copy(x_hbm.at[pl.ds(base, nb)], idx_v)

        def gather(bag, hb, b):
            return pltpu.make_async_copy(
                table_hbm.at[idx_v.at[bag, hb]], rows_v.at[b], sems[b])

        for b in range(4):
            gather(b // 2, b % 2, b).start()

        def body(i, carry):
            for j in range(2):
                bag = 2 * i + j
                accs = tuple(jnp.zeros((L,), jnp.float32) for _ in range(nd))
                for hb in range(2):
                    b = 2 * j + hb
                    gather(bag, hb, b).wait()

                    def row_body(r, a, _b=b):
                        r2 = 2 * r
                        for rr in (r2, r2 + 1):
                            a = tuple(
                                a[d] + rows_v[_b, rr, pl.ds(d * L, L)]
                                for d in range(nd))
                        return a

                    accs = lax.fori_loop(0, HH // 2, row_body, accs)

                    @pl.when(bag + 2 < nb)
                    def _():
                        gather(bag + 2, hb, b).start()

                for d in range(nd):
                    pooled_v[bag, pl.ds(d * L, L)] = accs[d]
            return carry

        lax.fori_loop(0, nb // 2, body, 0)
        pltpu.sync_copy(pooled_v, out_hbm.at[pl.ds(base, nb)])

    return bag_kernel


def _mlp_body(p_ref, w1_ref, b1_ref, w2_ref, b2_ref, o_ref):
    h = lax.dot_general(p_ref[...], w1_ref[...], (((1,), (1,)), ((), ())),
                        preferred_element_type=jnp.float32)
    h = jnp.maximum(h + b1_ref[...], 0.0)
    o_ref[...] = lax.dot_general(h, w2_ref[...], (((1,), (1,)), ((), ())),
                                 preferred_element_type=jnp.float32) + b2_ref[...]


def kernel(x, table, W1, b1, W2, b2):
    B, H = x.shape
    D = table.shape[1]
    x3 = x.reshape(B, 2, H // 2).astype(jnp.int32)
    pooled = _make_bag_kernel(B, H, D)(x3, table)
    out = pl.pallas_call(
        _mlp_body,
        out_shape=jax.ShapeDtypeStruct((B, W2.shape[0]), jnp.float32),
    )(pooled, W1, b1.reshape(1, -1), W2, b2.reshape(1, -1))
    return out

# --- scband reference (transcript-rebuilt; emitter-appended) ---
"""Pipeline reference for scband-bag-of-ngrams-37701222924627 (READ-ONLY COPY).

The authoritative reference and input builder live on the scoring server;
editing this copy changes nothing except your own understanding.
"""

import jax, jax.numpy as jnp
import numpy as np

VOCAB = 1000000
EMB_DIM = 128
HIDDEN = 256
OUT = 128
BATCH = 4096
HIST = 200

def setup_inputs(seed: int = 0) -> dict:
    key = jax.random.key(seed)
    k1, k2, k3, k4, k5, k6 = jax.random.split(key, 6)
    x = jax.random.randint(k1, (BATCH, HIST), 0, VOCAB, dtype=jnp.int64) if jax.config.jax_enable_x64 else jax.random.randint(k1, (BATCH, HIST), 0, VOCAB, dtype=jnp.int32)
    # embedding table (EmbeddingBag weight), default normal init
    table = jax.random.normal(k2, (VOCAB, EMB_DIM), dtype=jnp.float32)
    # xavier_uniform for linear layers
    def xavier(k, fan_out, fan_in):
        bound = float(np.sqrt(6.0 / (fan_in + fan_out)))
        return jax.random.uniform(k, (fan_out, fan_in), minval=-bound, maxval=bound, dtype=jnp.float32)
    W1 = xavier(k3, HIDDEN, EMB_DIM)
    b1 = jnp.zeros((HIDDEN,), dtype=jnp.float32)
    W2 = xavier(k4, OUT, HIDDEN)
    b2 = jnp.zeros((OUT,), dtype=jnp.float32)
    return {"x": x, "table": table, "W1": W1, "b1": b1, "W2": W2, "b2": b2}

def reference(x, table, W1, b1, W2, b2):
    # EmbeddingBag(mode='sum') on 2D input: gather rows then sum over bag dim
    emb = jnp.take(table, x, axis=0)            # [B, L, D]
    pooled = jnp.sum(emb, axis=1)                # [B, D]
    # Linear(EMB_DIM -> HIDDEN) + ReLU (Dropout is identity at inference)
    h = pooled @ W1.T + b1
    h = jax.nn.relu(h)
    # Linear(HIDDEN -> OUT)
    out = h @ W2.T + b2
    return out

if __name__ == "__main__":
    import jax
    _d = setup_inputs()
    print(jax.jit(kernel)(*tuple(_d.values())))

</pallas_src>

<mosaic_0001>
#map = affine_map<(d0, d1) -> (0, 0, 0)>
#map1 = affine_map<(d0, d1) -> (0, 0)>
module attributes {stable_mosaic.version = 14 : i64} {
  func.func @bag_kernel(%arg0: i32, %arg1: i32, %arg2: memref<4096x2x100xi32, #tpu.memory_space<hbm>>, %arg3: memref<1000000x128xf32, #tpu.memory_space<hbm>>, %arg4: memref<4096x128xf32, #tpu.memory_space<hbm>>, %arg5: memref<128x2x100xi32, #tpu.memory_space<vmem>>, %arg6: memref<4x100x128xf32, #tpu.memory_space<vmem>>, %arg7: memref<128x128xf32, #tpu.memory_space<vmem>>, %arg8: memref<!tpu.dma_semaphore, #tpu.memory_space<semaphore_mem>>, %arg9: memref<!tpu.dma_semaphore, #tpu.memory_space<semaphore_mem>>, %arg10: memref<!tpu.dma_semaphore, #tpu.memory_space<semaphore_mem>>, %arg11: memref<!tpu.dma_semaphore, #tpu.memory_space<semaphore_mem>>) attributes {dimension_semantics = [#tpu.dimension_semantics<core_parallel>, #tpu.dimension_semantics<subcore_parallel>], iteration_bounds = array<i64: 2, 16>, scalar_prefetch = 0 : i64, scratch_operands = 7 : i64, tpu.core_type = #tpu.core_type<sc_vector_subcore>, window_params = [{transform_indices = #map}, {transform_indices = #map1}, {transform_indices = #map1}]} {
    %mul3A = arith.constant 2 : i32
    %mul3A_0 = arith.muli %arg1, %mul3A : i32
    %add3A = arith.addi %mul3A_0, %arg0 : i32
    %mul3A_1 = arith.constant 128 : i32
    %mul3A_2 = arith.muli %add3A, %mul3A_1 : i32
    "tpu.region"() ({
      %run_scoped3A = tpu.sem_alloc : memref<!tpu.dma_semaphore, #tpu.memory_space<semaphore_mem>>
      %dma_start3A_59 = arith.constant 0 : i32
      %dma_start3A_60 = arith.constant 0 : i32
      %dma_start3A_61 = tpu.memref_slice %arg2[%mul3A_2, %dma_start3A_59, %dma_start3A_60] : memref<4096x2x100xi32, #tpu.memory_space<hbm>> -> memref<128x2x100xi32, #tpu.memory_space<hbm>>
      %dma_start3A_62 = arith.constant 0 : i32
      %dma_start3A_63 = arith.constant 0 : i32
      %dma_start3A_64 = tpu.memref_slice %arg2[%mul3A_2, %dma_start3A_62, %dma_start3A_63] : memref<4096x2x100xi32, #tpu.memory_space<hbm>> -> memref<128x2x100xi32, #tpu.memory_space<hbm>>
      tpu.enqueue_dma source(%dma_start3A_64 : memref<128x2x100xi32, #tpu.memory_space<hbm>>) target(%arg5 : memref<128x2x100xi32, #tpu.memory_space<vmem>>) target_semaphore(%run_scoped3A : memref<!tpu.dma_semaphore, #tpu.memory_space<semaphore_mem>>)
      %dma_wait3A = arith.constant 0 : i32
      %dma_wait3A_65 = arith.constant 0 : i32
      %dma_wait3A_66 = tpu.memref_slice %arg2[%mul3A_2, %dma_wait3A, %dma_wait3A_65] : memref<4096x2x100xi32, #tpu.memory_space<hbm>> -> memref<128x2x100xi32, #tpu.memory_space<hbm>>
      %dma_wait3A_67 = arith.constant 0 : i32
      %dma_wait3A_68 = arith.constant 0 : i32
      %dma_wait3A_69 = tpu.memref_slice %arg2[%mul3A_2, %dma_wait3A_67, %dma_wait3A_68] : memref<4096x2x100xi32, #tpu.memory_space<hbm>> -> memref<128x2x100xi32, #tpu.memory_space<hbm>>
      tpu.wait_dma2 semaphore(%run_scoped3A : memref<!tpu.dma_semaphore, #tpu.memory_space<semaphore_mem>>) src(%dma_wait3A_69 : memref<128x2x100xi32, #tpu.memory_space<hbm>>) dst(%arg5 : memref<128x2x100xi32, #tpu.memory_space<vmem>>)
      tpu.yield
    }) : () -> ()
    %dma_start3A = arith.constant 0 : i32
    %dma_start3A_3 = arith.constant 0 : i32
    %dma_start3A_4 = arith.constant 0 : i32
    %dma_start3A_5 = arith.constant 0 : i32
    %dma_start3A_6 = arith.constant 0 : i32
    %dma_start3A_7 = tpu.memref_slice %arg6[%dma_start3A_4, %dma_start3A_5, %dma_start3A_6] : memref<4x100x128xf32, #tpu.memory_space<vmem>> -> memref<1x100x128xf32, #tpu.memory_space<vmem>>
    %dma_start3A_8 = tpu.memref_squeeze %dma_start3A_7 : memref<1x100x128xf32, #tpu.memory_space<vmem>> -> memref<100x128xf32, #tpu.memory_space<vmem>>
    %dma_start3A_9 = arith.constant 0 : i32
    %dma_start3A_10 = tpu.memref_slice %arg5[%dma_start3A, %dma_start3A_3, %dma_start3A_9] : memref<128x2x100xi32, #tpu.memory_space<vmem>> -> memref<1x1x100xi32, #tpu.memory_space<vmem>>
    %dma_start3A_11 = tpu.memref_squeeze %dma_start3A_10 : memref<1x1x100xi32, #tpu.memory_space<vmem>> -> memref<100xi32, #tpu.memory_space<vmem>>
    %dma_start3A_12 = arith.constant 0 : i32
    %dma_start3A_13 = arith.constant 0 : i32
    %dma_start3A_14 = tpu.memref_slice %arg3[%dma_start3A_12, %dma_start3A_13] : memref<1000000x128xf32, #tpu.memory_space<hbm>> -> memref<1000000x128xf32, #tpu.memory_space<hbm>>
    tpu.enqueue_indirect_dma source(%dma_start3A_14 : memref<1000000x128xf32, #tpu.memory_space<hbm>>) target(%dma_start3A_8 : memref<100x128xf32, #tpu.memory_space<vmem>>) offsets(%dma_start3A_11 : memref<100xi32, #tpu.memory_space<vmem>>) semaphore(%arg8 : memref<!tpu.dma_semaphore, #tpu.memory_space<semaphore_mem>>)
    %dma_start3A_15 = arith.constant 0 : i32
    %dma_start3A_16 = arith.constant 1 : i32
    %dma_start3A_17 = arith.constant 1 : i32
    %dma_start3A_18 = arith.constant 0 : i32
    %dma_start3A_19 = arith.constant 0 : i32
    %dma_start3A_20 = tpu.memref_slice %arg6[%dma_start3A_17, %dma_start3A_18, %dma_start3A_19] : memref<4x100x128xf32, #tpu.memory_space<vmem>> -> memref<1x100x128xf32, #tpu.memory_space<vmem>>
    %dma_start3A_21 = tpu.memref_squeeze %dma_start3A_20 : memref<1x100x128xf32, #tpu.memory_space<vmem>> -> memref<100x128xf32, #tpu.memory_space<vmem>>
    %dma_start3A_22 = arith.constant 0 : i32
    %dma_start3A_23 = tpu.memref_slice %arg5[%dma_start3A_15, %dma_start3A_16, %dma_start3A_22] : memref<128x2x100xi32, #tpu.memory_space<vmem>> -> memref<1x1x100xi32, #tpu.memory_space<vmem>>
    %dma_start3A_24 = tpu.memref_squeeze %dma_start3A_23 : memref<1x1x100xi32, #tpu.memory_space<vmem>> -> memref<100xi32, #tpu.memory_space<vmem>>
    %dma_start3A_25 = arith.constant 0 : i32
    %dma_start3A_26 = arith.constant 0 : i32
    %dma_start3A_27 = tpu.memref_slice %arg3[%dma_start3A_25, %dma_start3A_26] : memref<1000000x128xf32, #tpu.memory_space<hbm>> -> memref<1000000x128xf32, #tpu.memory_space<hbm>>
    tpu.enqueue_indirect_dma source(%dma_start3A_27 : memref<1000000x128xf32, #tpu.memory_space<hbm>>) target(%dma_start3A_21 : memref<100x128xf32, #tpu.memory_space<vmem>>) offsets(%dma_start3A_24 : memref<100xi32, #tpu.memory_space<vmem>>) semaphore(%arg9 : memref<!tpu.dma_semaphore, #tpu.memory_space<semaphore_mem>>)
    %dma_start3A_28 = arith.constant 1 : i32
    %dma_start3A_29 = arith.constant 0 : i32
    %dma_start3A_30 = arith.constant 2 : i32
    %dma_start3A_31 = arith.constant 0 : i32
    %dma_start3A_32 = arith.constant 0 : i32
    %dma_start3A_33 = tpu.memref_slice %arg6[%dma_start3A_30, %dma_start3A_31, %dma_start3A_32] : memref<4x100x128xf32, #tpu.memory_space<vmem>> -> memref<1x100x128xf32, #tpu.memory_space<vmem>>
    %dma_start3A_34 = tpu.memref_squeeze %dma_start3A_33 : memref<1x100x128xf32, #tpu.memory_space<vmem>> -> memref<100x128xf32, #tpu.memory_space<vmem>>
    %dma_start3A_35 = arith.constant 0 : i32
    %dma_start3A_36 = tpu.memref_slice %arg5[%dma_start3A_28, %dma_start3A_29, %dma_start3A_35] : memref<128x2x100xi32, #tpu.memory_space<vmem>> -> memref<1x1x100xi32, #tpu.memory_space<vmem>>
    %dma_start3A_37 = tpu.memref_squeeze %dma_start3A_36 : memref<1x1x100xi32, #tpu.memory_space<vmem>> -> memref<100xi32, #tpu.memory_space<vmem>>
    %dma_start3A_38 = arith.constant 0 : i32
    %dma_start3A_39 = arith.constant 0 : i32
    %dma_start3A_40 = tpu.memref_slice %arg3[%dma_start3A_38, %dma_start3A_39] : memref<1000000x128xf32, #tpu.memory_space<hbm>> -> memref<1000000x128xf32, #tpu.memory_space<hbm>>
    tpu.enqueue_indirect_dma source(%dma_start3A_40 : memref<1000000x128xf32, #tpu.memory_space<hbm>>) target(%dma_start3A_34 : memref<100x128xf32, #tpu.memory_space<vmem>>) offsets(%dma_start3A_37 : memref<100xi32, #tpu.memory_space<vmem>>) semaphore(%arg10 : memref<!tpu.dma_semaphore, #tpu.memory_space<semaphore_mem>>)
    %dma_start3A_41 = arith.constant 1 : i32
    %dma_start3A_42 = arith.constant 1 : i32
    %dma_start3A_43 = arith.constant 3 : i32
    %dma_start3A_44 = arith.constant 0 : i32
    %dma_start3A_45 = arith.constant 0 : i32
    %dma_start3A_46 = tpu.memref_slice %arg6[%dma_start3A_43, %dma_start3A_44, %dma_start3A_45] : memref<4x100x128xf32, #tpu.memory_space<vmem>> -> memref<1x100x128xf32, #tpu.memory_space<vmem>>
    %dma_start3A_47 = tpu.memref_squeeze %dma_start3A_46 : memref<1x100x128xf32, #tpu.memory_space<vmem>> -> memref<100x128xf32, #tpu.memory_space<vmem>>
    %dma_start3A_48 = arith.constant 0 : i32
    %dma_start3A_49 = tpu.memref_slice %arg5[%dma_start3A_41, %dma_start3A_42, %dma_start3A_48] : memref<128x2x100xi32, #tpu.memory_space<vmem>> -> memref<1x1x100xi32, #tpu.memory_space<vmem>>
    %dma_start3A_50 = tpu.memref_squeeze %dma_start3A_49 : memref<1x1x100xi32, #tpu.memory_space<vmem>> -> memref<100xi32, #tpu.memory_space<vmem>>
    %dma_start3A_51 = arith.constant 0 : i32
    %dma_start3A_52 = arith.constant 0 : i32
    %dma_start3A_53 = tpu.memref_slice %arg3[%dma_start3A_51, %dma_start3A_52] : memref<1000000x128xf32, #tpu.memory_space<hbm>> -> memref<1000000x128xf32, #tpu.memory_space<hbm>>
    tpu.enqueue_indirect_dma source(%dma_start3A_53 : memref<1000000x128xf32, #tpu.memory_space<hbm>>) target(%dma_start3A_47 : memref<100x128xf32, #tpu.memory_space<vmem>>) offsets(%dma_start3A_50 : memref<100xi32, #tpu.memory_space<vmem>>) semaphore(%arg11 : memref<!tpu.dma_semaphore, #tpu.memory_space<semaphore_mem>>)
    %scan3A = arith.constant 0 : i32
    %scan3A_54 = arith.constant 0 : i32
    %scan3A_55 = arith.constant 64 : i32
    %scan3A_56 = arith.addi %scan3A_54, %scan3A_55 : i32
    %scan3A_57 = arith.constant 1 : i32
    scf.for %scan3A_59 = %scan3A_54 to %scan3A_56 step %scan3A_57  : i32 {
      %mul3A_60 = arith.constant 2 : i32
      %mul3A_61 = arith.muli %mul3A_60, %scan3A_59 : i32
      %add3A_62 = arith.constant 0 : i32
      %add3A_63 = arith.addi %mul3A_61, %add3A_62 : i32
      %broadcast_in_dim3A = arith.constant 0.000000e+00 : f32
      %broadcast_in_dim3A_64 = vector.broadcast %broadcast_in_dim3A : f32 to vector<16xf32>
      %broadcast_in_dim3A_65 = arith.constant 0.000000e+00 : f32
      %broadcast_in_dim3A_66 = vector.broadcast %broadcast_in_dim3A_65 : f32 to vector<16xf32>
      %broadcast_in_dim3A_67 = arith.constant 0.000000e+00 : f32
      %broadcast_in_dim3A_68 = vector.broadcast %broadcast_in_dim3A_67 : f32 to vector<16xf32>
      %broadcast_in_dim3A_69 = arith.constant 0.000000e+00 : f32
      %broadcast_in_dim3A_70 = vector.broadcast %broadcast_in_dim3A_69 : f32 to vector<16xf32>
      %broadcast_in_dim3A_71 = arith.constant 0.000000e+00 : f32
      %broadcast_in_dim3A_72 = vector.broadcast %broadcast_in_dim3A_71 : f32 to vector<16xf32>
      %broadcast_in_dim3A_73 = arith.constant 0.000000e+00 : f32
      %broadcast_in_dim3A_74 = vector.broadcast %broadcast_in_dim3A_73 : f32 to vector<16xf32>
      %broadcast_in_dim3A_75 = arith.constant 0.000000e+00 : f32
      %broadcast_in_dim3A_76 = vector.broadcast %broadcast_in_dim3A_75 : f32 to vector<16xf32>
      %broadcast_in_dim3A_77 = arith.constant 0.000000e+00 : f32
      %broadcast_in_dim3A_78 = vector.broadcast %broadcast_in_dim3A_77 : f32 to vector<16xf32>
      %dma_wait3A = arith.constant 0 : i32
      %dma_wait3A_79 = arith.constant 0 : i32
      %dma_wait3A_80 = arith.constant 0 : i32
      %dma_wait3A_81 = arith.constant 0 : i32
      %dma_wait3A_82 = tpu.memref_slice %arg6[%dma_wait3A_79, %dma_wait3A_80, %dma_wait3A_81] : memref<4x100x128xf32, #tpu.memory_space<vmem>> -> memref<1x100x128xf32, #tpu.memory_space<vmem>>
      %dma_wait3A_83 = tpu.memref_squeeze %dma_wait3A_82 : memref<1x100x128xf32, #tpu.memory_space<vmem>> -> memref<100x128xf32, #tpu.memory_space<vmem>>
      %dma_wait3A_84 = arith.constant 0 : i32
      %dma_wait3A_85 = tpu.memref_slice %arg5[%add3A_63, %dma_wait3A, %dma_wait3A_84] : memref<128x2x100xi32, #tpu.memory_space<vmem>> -> memref<1x1x100xi32, #tpu.memory_space<vmem>>
      %dma_wait3A_86 = tpu.memref_squeeze %dma_wait3A_85 : memref<1x1x100xi32, #tpu.memory_space<vmem>> -> memref<100xi32, #tpu.memory_space<vmem>>
      %dma_wait3A_87 = arith.constant 0 : i32
      %dma_wait3A_88 = arith.constant 0 : i32
      %dma_wait3A_89 = tpu.memref_slice %arg3[%dma_wait3A_87, %dma_wait3A_88] : memref<1000000x128xf32, #tpu.memory_space<hbm>> -> memref<1000000x128xf32, #tpu.memory_space<hbm>>
      tpu.wait_indirect_dma semaphore(%arg8 : memref<!tpu.dma_semaphore, #tpu.memory_space<semaphore_mem>>) src(%dma_wait3A_89 : memref<1000000x128xf32, #tpu.memory_space<hbm>>) dst(%dma_wait3A_83 : memref<100x128xf32, #tpu.memory_space<vmem>>)
      %scan3A_90 = arith.constant 0 : i32
      %scan3A_91 = arith.constant 50 : i32
      %scan3A_92 = arith.addi %scan3A_90, %scan3A_91 : i32
      %scan3A_93 = arith.constant 1 : i32
      %scan3A_94:8 = scf.for %scan3A_274 = %scan3A_90 to %scan3A_92 step %scan3A_93 iter_args(%scan3A_275 = %broadcast_in_dim3A_64, %scan3A_276 = %broadcast_in_dim3A_66, %scan3A_277 = %broadcast_in_dim3A_68, %scan3A_278 = %broadcast_in_dim3A_70, %scan3A_279 = %broadcast_in_dim3A_72, %scan3A_280 = %broadcast_in_dim3A_74, %scan3A_281 = %broadcast_in_dim3A_76, %scan3A_282 = %broadcast_in_dim3A_78) -> (vector<16xf32>, vector<16xf32>, vector<16xf32>, vector<16xf32>, vector<16xf32>, vector<16xf32>, vector<16xf32>, vector<16xf32>)  : i32 {
        %mul3A_283 = arith.constant 2 : i32
        %mul3A_284 = arith.muli %mul3A_283, %scan3A_274 : i32
        %add3A_285 = arith.constant 1 : i32
        %add3A_286 = arith.addi %mul3A_284, %add3A_285 : i32
        %get3A = arith.constant 0 : i32
        %get3A_287 = arith.index_cast %get3A : i32 to index
        %get3A_288 = arith.index_cast %mul3A_284 : i32 to index
        %get3A_289 = arith.constant 0 : index
        %get3A_290 = tpu.vector_load %arg6[%get3A_287, %get3A_288, %get3A_289] {strides = array<i32>} : memref<4x100x128xf32, #tpu.memory_space<vmem>>, vector<1x1x16xf32>,
        %get3A_291 = vector.shape_cast %get3A_290 : vector<1x1x16xf32> to vector<16xf32>
        %add3A_292 = arith.addf %scan3A_275, %get3A_291 : vector<16xf32>
        %get3A_293 = arith.constant 0 : i32
        %get3A_294 = arith.index_cast %get3A_293 : i32 to index
        %get3A_295 = arith.index_cast %mul3A_284 : i32 to index
        %get3A_296 = arith.constant 16 : index
        %get3A_297 = tpu.vector_load %arg6[%get3A_294, %get3A_295, %get3A_296] {strides = array<i32>} : memref<4x100x128xf32, #tpu.memory_space<vmem>>, vector<1x1x16xf32>,
        %get3A_298 = vector.shape_cast %get3A_297 : vector<1x1x16xf32> to vector<16xf32>
        %add3A_299 = arith.addf %scan3A_276, %get3A_298 : vector<16xf32>
        %get3A_300 = arith.constant 0 : i32
        %get3A_301 = arith.index_cast %get3A_300 : i32 to index
        %get3A_302 = arith.index_cast %mul3A_284 : i32 to index
        %get3A_303 = arith.constant 32 : index
        %get3A_304 = tpu.vector_load %arg6[%get3A_301, %get3A_302, %get3A_303] {strides = array<i32>} : memref<4x100x128xf32, #tpu.memory_space<vmem>>, vector<1x1x16xf32>,
        %get3A_305 = vector.shape_cast %get3A_304 : vector<1x1x16xf32> to vector<16xf32>
        %add3A_306 = arith.addf %scan3A_277, %get3A_305 : vector<16xf32>
        %get3A_307 = arith.constant 0 : i32
        %get3A_308 = arith.index_cast %get3A_307 : i32 to index
        %get3A_309 = arith.index_cast %mul3A_284 : i32 to index
        %get3A_310 = arith.constant 48 : index
        %get3A_311 = tpu.vector_load %arg6[%get3A_308, %get3A_309, %get3A_310] {strides = array<i32>} : memref<4x100x128xf32, #tpu.memory_space<vmem>>, vector<1x1x16xf32>,
        %get3A_312 = vector.shape_cast %get3A_311 : vector<1x1x16xf32> to vector<16xf32>
        %add3A_313 = arith.addf %scan3A_278, %get3A_312 : vector<16xf32>
        %get3A_314 = arith.constant 0 : i32
        %get3A_315 = arith.index_cast %get3A_314 : i32 to index
        %get3A_316 = arith.index_cast %mul3A_284 : i32 to index
        %get3A_317 = arith.constant 64 : index
        %get3A_318 = tpu.vector_load %arg6[%get3A_315, %get3A_316, %get3A_317] {strides = array<i32>} : memref<4x100x128xf32, #tpu.memory_space<vmem>>, vector<1x1x16xf32>,
        %get3A_319 = vector.shape_cast %get3A_318 : vector<1x1x16xf32> to vector<16xf32>
        %add3A_320 = arith.addf %scan3A_279, %get3A_319 : vector<16xf32>
        %get3A_321 = arith.constant 0 : i32
        %get3A_322 = arith.index_cast %get3A_321 : i32 to index
        %get3A_323 = arith.index_cast %mul3A_284 : i32 to index
        %get3A_324 = arith.constant 80 : index
        %get3A_325 = tpu.vector_load %arg6[%get3A_322, %get3A_323, %get3A_324] {strides = array<i32>} : memref<4x100x128xf32, #tpu.memory_space<vmem>>, vector<1x1x16xf32>,
        %get3A_326 = vector.shape_cast %get3A_325 : vector<1x1x16xf32> to vector<16xf32>
        %add3A_327 = arith.addf %scan3A_280, %get3A_326 : vector<16xf32>
        %get3A_328 = arith.constant 0 : i32
        %get3A_329 = arith.index_cast %get3A_328 : i32 to index
        %get3A_330 = arith.index_cast %mul3A_284 : i32 to index
        %get3A_331 = arith.constant 96 : index
        %get3A_332 = tpu.vector_load %arg6[%get3A_329, %get3A_330, %get3A_331] {strides = array<i32>} : memref<4x100x128xf32, #tpu.memory_space<vmem>>, vector<1x1x16xf32>,
        %get3A_333 = vector.shape_cast %get3A_332 : vector<1x1x16xf32> to vector<16xf32>
        %add3A_334 = arith.addf %scan3A_281, %get3A_333 : vector<16xf32>
        %get3A_335 = arith.constant 0 : i32
        %get3A_336 = arith.index_cast %get3A_335 : i32 to index
        %get3A_337 = arith.index_cast %mul3A_284 : i32 to index
        %get3A_338 = arith.constant 112 : index
        %get3A_339 = tpu.vector_load %arg6[%get3A_336, %get3A_337, %get3A_338] {strides = array<i32>} : memref<4x100x128xf32, #tpu.memory_space<vmem>>, vector<1x1x16xf32>,
        %get3A_340 = vector.shape_cast %get3A_339 : vector<1x1x16xf32> to vector<16xf32>
        %add3A_341 = arith.addf %scan3A_282, %get3A_340 : vector<16xf32>
        %get3A_342 = arith.constant 0 : i32
        %get3A_343 = arith.index_cast %get3A_342 : i32 to index
        %get3A_344 = arith.index_cast %add3A_286 : i32 to index
        %get3A_345 = arith.constant 0 : index
        %get3A_346 = tpu.vector_load %arg6[%get3A_343, %get3A_344, %get3A_345] {strides = array<i32>} : memref<4x100x128xf32, #tpu.memory_space<vmem>>, vector<1x1x16xf32>,
        %get3A_347 = vector.shape_cast %get3A_346 : vector<1x1x16xf32> to vector<16xf32>
        %add3A_348 = arith.addf %add3A_292, %get3A_347 : vector<16xf32>
        %get3A_349 = arith.constant 0 : i32
        %get3A_350 = arith.index_cast %get3A_349 : i32 to index
        %get3A_351 = arith.index_cast %add3A_286 : i32 to index
        %get3A_352 = arith.constant 16 : index
        %get3A_353 = tpu.vector_load %arg6[%get3A_350, %get3A_351, %get3A_352] {strides = array<i32>} : memref<4x100x128xf32, #tpu.memory_space<vmem>>, vector<1x1x16xf32>,
        %get3A_354 = vector.shape_cast %get3A_353 : vector<1x1x16xf32> to vector<16xf32>
        %add3A_355 = arith.addf %add3A_299, %get3A_354 : vector<16xf32>
        %get3A_356 = arith.constant 0 : i32
        %get3A_357 = arith.index_cast %get3A_356 : i32 to index
        %get3A_358 = arith.index_cast %add3A_286 : i32 to index
        %get3A_359 = arith.constant 32 : index
        %get3A_360 = tpu.vector_load %arg6[%get3A_357, %get3A_358, %get3A_359] {strides = array<i32>} : memref<4x100x128xf32, #tpu.memory_space<vmem>>, vector<1x1x16xf32>,
        %get3A_361 = vector.shape_cast %get3A_360 : vector<1x1x16xf32> to vector<16xf32>
        %add3A_362 = arith.addf %add3A_306, %get3A_361 : vector<16xf32>
        %get3A_363 = arith.constant 0 : i32
        %get3A_364 = arith.index_cast %get3A_363 : i32 to index
        %get3A_365 = arith.index_cast %add3A_286 : i32 to index
        %get3A_366 = arith.constant 48 : index
        %get3A_367 = tpu.vector_load %arg6[%get3A_364, %get3A_365, %get3A_366] {strides = array<i32>} : memref<4x100x128xf32, #tpu.memory_space<vmem>>, vector<1x1x16xf32>,
        %get3A_368 = vector.shape_cast %get3A_367 : vector<1x1x16xf32> to vector<16xf32>
        %add3A_369 = arith.addf %add3A_313, %get3A_368 : vector<16xf32>
        %get3A_370 = arith.constant 0 : i32
        %get3A_371 = arith.index_cast %get3A_370 : i32 to index
        %get3A_372 = arith.index_cast %add3A_286 : i32 to index
        %get3A_373 = arith.constant 64 : index
        %get3A_374 = tpu.vector_load %arg6[%get3A_371, %get3A_372, %get3A_373] {strides = array<i32>} : memref<4x100x128xf32, #tpu.memory_space<vmem>>, vector<1x1x16xf32>,
        %get3A_375 = vector.shape_cast %get3A_374 : vector<1x1x16xf32> to vector<16xf32>
        %add3A_376 = arith.addf %add3A_320, %get3A_375 : vector<16xf32>
        %get3A_377 = arith.constant 0 : i32
        %get3A_378 = arith.index_cast %get3A_377 : i32 to index
        %get3A_379 = arith.index_cast %add3A_286 : i32 to index
        %get3A_380 = arith.constant 80 : index
        %get3A_381 = tpu.vector_load %arg6[%get3A_378, %get3A_379, %get3A_380] {strides = array<i32>} : memref<4x100x128xf32, #tpu.memory_space<vmem>>, vector<1x1x16xf32>,
        %get3A_382 = vector.shape_cast %get3A_381 : vector<1x1x16xf32> to vector<16xf32>
        %add3A_383 = arith.addf %add3A_327, %get3A_382 : vector<16xf32>
        %get3A_384 = arith.constant 0 : i32
        %get3A_385 = arith.index_cast %get3A_384 : i32 to index
        %get3A_386 = arith.index_cast %add3A_286 : i32 to index
        %get3A_387 = arith.constant 96 : index
        %get3A_388 = tpu.vector_load %arg6[%get3A_385, %get3A_386, %get3A_387] {strides = array<i32>} : memref<4x100x128xf32, #tpu.memory_space<vmem>>, vector<1x1x16xf32>,
        %get3A_389 = vector.shape_cast %get3A_388 : vector<1x1x16xf32> to vector<16xf32>
        %add3A_390 = arith.addf %add3A_334, %get3A_389 : vector<16xf32>
        %get3A_391 = arith.constant 0 : i32
        %get3A_392 = arith.index_cast %get3A_391 : i32 to index
        %get3A_393 = arith.index_cast %add3A_286 : i32 to index
        %get3A_394 = arith.constant 112 : index
        %get3A_395 = tpu.vector_load %arg6[%get3A_392, %get3A_393, %get3A_394] {strides = array<i32>} : memref<4x100x128xf32, #tpu.memory_space<vmem>>, vector<1x1x16xf32>,
        %get3A_396 = vector.shape_cast %get3A_395 : vector<1x1x16xf32> to vector<16xf32>
        %add3A_397 = arith.addf %add3A_341, %get3A_396 : vector<16xf32>
        scf.yield %add3A_348, %add3A_355, %add3A_362, %add3A_369, %add3A_376, %add3A_383, %add3A_390, %add3A_397 : vector<16xf32>, vector<16xf32>, vector<16xf32>, vector<16xf32>, vector<16xf32>, vector<16xf32>, vector<16xf32>, vector<16xf32>
      }
      %scan3A_95 = arith.constant 50 : i32
      %add3A_96 = arith.constant 2 : i32
      %add3A_97 = arith.addi %add3A_63, %add3A_96 : i32
      %lt3A = arith.constant 128 : i32
      %lt3A_98 = arith.cmpi slt, %add3A_97, %lt3A : i32
      %convert_element_type3A = arith.extui %lt3A_98 : i1 to i32
      %cond3A = arith.constant 0 : i32
      %cond3A_99 = arith.cmpi ne, %convert_element_type3A, %cond3A : i32
      scf.if %cond3A_99 {
        %add3A_274 = arith.constant 2 : i32
        %add3A_275 = arith.addi %add3A_63, %add3A_274 : i32
        %dma_start3A_276 = arith.constant 0 : i32
        %dma_start3A_277 = arith.constant 0 : i32
        %dma_start3A_278 = arith.constant 0 : i32
        %dma_start3A_279 = arith.constant 0 : i32
        %dma_start3A_280 = tpu.memref_slice %arg6[%dma_start3A_277, %dma_start3A_278, %dma_start3A_279] : memref<4x100x128xf32, #tpu.memory_space<vmem>> -> memref<1x100x128xf32, #tpu.memory_space<vmem>>
        %dma_start3A_281 = tpu.memref_squeeze %dma_start3A_280 : memref<1x100x128xf32, #tpu.memory_space<vmem>> -> memref<100x128xf32, #tpu.memory_space<vmem>>
        %dma_start3A_282 = arith.constant 0 : i32
        %dma_start3A_283 = tpu.memref_slice %arg5[%add3A_275, %dma_start3A_276, %dma_start3A_282] : memref<128x2x100xi32, #tpu.memory_space<vmem>> -> memref<1x1x100xi32, #tpu.memory_space<vmem>>
        %dma_start3A_284 = tpu.memref_squeeze %dma_start3A_283 : memref<1x1x100xi32, #tpu.memory_space<vmem>> -> memref<100xi32, #tpu.memory_space<vmem>>
        %dma_start3A_285 = arith.constant 0 : i32
        %dma_start3A_286 = arith.constant 0 : i32
        %dma_start3A_287 = tpu.memref_slice %arg3[%dma_start3A_285, %dma_start3A_286] : memref<1000000x128xf32, #tpu.memory_space<hbm>> -> memref<1000000x128xf32, #tpu.memory_space<hbm>>
        tpu.enqueue_indirect_dma source(%dma_start3A_287 : memref<1000000x128xf32, #tpu.memory_space<hbm>>) target(%dma_start3A_281 : memref<100x128xf32, #tpu.memory_space<vmem>>) offsets(%dma_start3A_284 : memref<100xi32, #tpu.memory_space<vmem>>) semaphore(%arg8 : memref<!tpu.dma_semaphore, #tpu.memory_space<semaphore_mem>>)
      } else {
      }
      %dma_wait3A_100 = arith.constant 1 : i32
      %dma_wait3A_101 = arith.constant 1 : i32
      %dma_wait3A_102 = arith.constant 0 : i32
      %dma_wait3A_103 = arith.constant 0 : i32
      %dma_wait3A_104 = tpu.memref_slice %arg6[%dma_wait3A_101, %dma_wait3A_102, %dma_wait3A_103] : memref<4x100x128xf32, #tpu.memory_space<vmem>> -> memref<1x100x128xf32, #tpu.memory_space<vmem>>
      %dma_wait3A_105 = tpu.memref_squeeze %dma_wait3A_104 : memref<1x100x128xf32, #tpu.memory_space<vmem>> -> memref<100x128xf32, #tpu.memory_space<vmem>>
      %dma_wait3A_106 = arith.constant 0 : i32
      %dma_wait3A_107 = tpu.memref_slice %arg5[%add3A_63, %dma_wait3A_100, %dma_wait3A_106] : memref<128x2x100xi32, #tpu.memory_space<vmem>> -> memref<1x1x100xi32, #tpu.memory_space<vmem>>
      %dma_wait3A_108 = tpu.memref_squeeze %dma_wait3A_107 : memref<1x1x100xi32, #tpu.memory_space<vmem>> -> memref<100xi32, #tpu.memory_space<vmem>>
      %dma_wait3A_109 = arith.constant 0 : i32
      %dma_wait3A_110 = arith.constant 0 : i32
      %dma_wait3A_111 = tpu.memref_slice %arg3[%dma_wait3A_109, %dma_wait3A_110] : memref<1000000x128xf32, #tpu.memory_space<hbm>> -> memref<1000000x128xf32, #tpu.memory_space<hbm>>
      tpu.wait_indirect_dma semaphore(%arg9 : memref<!tpu.dma_semaphore, #tpu.memory_space<semaphore_mem>>) src(%dma_wait3A_111 : memref<1000000x128xf32, #tpu.memory_space<hbm>>) dst(%dma_wait3A_105 : memref<100x128xf32, #tpu.memory_space<vmem>>)
      %scan3A_112 = arith.constant 0 : i32
      %scan3A_113 = arith.constant 50 : i32
      %scan3A_114 = arith.addi %scan3A_112, %scan3A_113 : i32
      %scan3A_115 = arith.constant 1 : i32
      %scan3A_116:8 = scf.for %scan3A_274 = %scan3A_112 to %scan3A_114 step %scan3A_115 iter_args(%scan3A_275 = %scan3A_94#0, %scan3A_276 = %scan3A_94#1, %scan3A_277 = %scan3A_94#2, %scan3A_278 = %scan3A_94#3, %scan3A_279 = %scan3A_94#4, %scan3A_280 = %scan3A_94#5, %scan3A_281 = %scan3A_94#6, %scan3A_282 = %scan3A_94#7) -> (vector<16xf32>, vector<16xf32>, vector<16xf32>, vector<16xf32>, vector<16xf32>, vector<16xf32>, vector<16xf32>, vector<16xf32>)  : i32 {
        %mul3A_283 = arith.constant 2 : i32
        %mul3A_284 = arith.muli %mul3A_283, %scan3A_274 : i32
        %add3A_285 = arith.constant 1 : i32
        %add3A_286 = arith.addi %mul3A_284, %add3A_285 : i32
        %get3A = arith.constant 1 : i32
        %get3A_287 = arith.index_cast %get3A : i32 to index
        %get3A_288 = arith.index_cast %mul3A_284 : i32 to index
        %get3A_289 = arith.constant 0 : index
        %get3A_290 = tpu.vector_load %arg6[%get3A_287, %get3A_288, %get3A_289] {strides = array<i32>} : memref<4x100x128xf32, #tpu.memory_space<vmem>>, vector<1x1x16xf32>,
        %get3A_291 = vector.shape_cast %get3A_290 : vector<1x1x16xf32> to vector<16xf32>
        %add3A_292 = arith.addf %scan3A_275, %get3A_291 : vector<16xf32>
        %get3A_293 = arith.constant 1 : i32
        %get3A_294 = arith.index_cast %get3A_293 : i32 to index
        %get3A_295 = arith.index_cast %mul3A_284 : i32 to index
        %get3A_296 = arith.constant 16 : index
        %get3A_297 = tpu.vector_load %arg6[%get3A_294, %get3A_295, %get3A_296] {strides = array<i32>} : memref<4x100x128xf32, #tpu.memory_space<vmem>>, vector<1x1x16xf32>,
        %get3A_298 = vector.shape_cast %get3A_297 : vector<1x1x16xf32> to vector<16xf32>
        %add3A_299 = arith.addf %scan3A_276, %get3A_298 : vector<16xf32>
        %get3A_300 = arith.constant 1 : i32
        %get3A_301 = arith.index_cast %get3A_300 : i32 to index
        %get3A_302 = arith.index_cast %mul3A_284 : i32 to index
        %get3A_303 = arith.constant 32 : index
        %get3A_304 = tpu.vector_load %arg6[%get3A_301, %get3A_302, %get3A_303] {strides = array<i32>} : memref<4x100x128xf32, #tpu.memory_space<vmem>>, vector<1x1x16xf32>,
        %get3A_305 = vector.shape_cast %get3A_304 : vector<1x1x16xf32> to vector<16xf32>
        %add3A_306 = arith.addf %scan3A_277, %get3A_305 : vector<16xf32>
        %get3A_307 = arith.constant 1 : i32
        %get3A_308 = arith.index_cast %get3A_307 : i32 to index
        %get3A_309 = arith.index_cast %mul3A_284 : i32 to index
        %get3A_310 = arith.constant 48 : index
        %get3A_311 = tpu.vector_load %arg6[%get3A_308, %get3A_309, %get3A_310] {strides = array<i32>} : memref<4x100x128xf32, #tpu.memory_space<vmem>>, vector<1x1x16xf32>,
        %get3A_312 = vector.shape_cast %get3A_311 : vector<1x1x16xf32> to vector<16xf32>
        %add3A_313 = arith.addf %scan3A_278, %get3A_312 : vector<16xf32>
        %get3A_314 = arith.constant 1 : i32
        %get3A_315 = arith.index_cast %get3A_314 : i32 to index
        %get3A_316 = arith.index_cast %mul3A_284 : i32 to index
        %get3A_317 = arith.constant 64 : index
        %get3A_318 = tpu.vector_load %arg6[%get3A_315, %get3A_316, %get3A_317] {strides = array<i32>} : memref<4x100x128xf32, #tpu.memory_space<vmem>>, vector<1x1x16xf32>,
        %get3A_319 = vector.shape_cast %get3A_318 : vector<1x1x16xf32> to vector<16xf32>
        %add3A_320 = arith.addf %scan3A_279, %get3A_319 : vector<16xf32>
        %get3A_321 = arith.constant 1 : i32
        %get3A_322 = arith.index_cast %get3A_321 : i32 to index
        %get3A_323 = arith.index_cast %mul3A_284 : i32 to index
        %get3A_324 = arith.constant 80 : index
        %get3A_325 = tpu.vector_load %arg6[%get3A_322, %get3A_323, %get3A_324] {strides = array<i32>} : memref<4x100x128xf32, #tpu.memory_space<vmem>>, vector<1x1x16xf32>,
        %get3A_326 = vector.shape_cast %get3A_325 : vector<1x1x16xf32> to vector<16xf32>
        %add3A_327 = arith.addf %scan3A_280, %get3A_326 : vector<16xf32>
        %get3A_328 = arith.constant 1 : i32
        %get3A_329 = arith.index_cast %get3A_328 : i32 to index
        %get3A_330 = arith.index_cast %mul3A_284 : i32 to index
        %get3A_331 = arith.constant 96 : index
        %get3A_332 = tpu.vector_load %arg6[%get3A_329, %get3A_330, %get3A_331] {strides = array<i32>} : memref<4x100x128xf32, #tpu.memory_space<vmem>>, vector<1x1x16xf32>,
        %get3A_333 = vector.shape_cast %get3A_332 : vector<1x1x16xf32> to vector<16xf32>
        %add3A_334 = arith.addf %scan3A_281, %get3A_333 : vector<16xf32>
        %get3A_335 = arith.constant 1 : i32
        %get3A_336 = arith.index_cast %get3A_335 : i32 to index
        %get3A_337 = arith.index_cast %mul3A_284 : i32 to index
        %get3A_338 = arith.constant 112 : index
        %get3A_339 = tpu.vector_load %arg6[%get3A_336, %get3A_337, %get3A_338] {strides = array<i32>} : memref<4x100x128xf32, #tpu.memory_space<vmem>>, vector<1x1x16xf32>,
        %get3A_340 = vector.shape_cast %get3A_339 : vector<1x1x16xf32> to vector<16xf32>
        %add3A_341 = arith.addf %scan3A_282, %get3A_340 : vector<16xf32>
        %get3A_342 = arith.constant 1 : i32
        %get3A_343 = arith.index_cast %get3A_342 : i32 to index
        %get3A_344 = arith.index_cast %add3A_286 : i32 to index
        %get3A_345 = arith.constant 0 : index
        %get3A_346 = tpu.vector_load %arg6[%get3A_343, %get3A_344, %get3A_345] {strides = array<i32>} : memref<4x100x128xf32, #tpu.memory_space<vmem>>, vector<1x1x16xf32>,
        %get3A_347 = vector.shape_cast %get3A_346 : vector<1x1x16xf32> to vector<16xf32>
        %add3A_348 = arith.addf %add3A_292, %get3A_347 : vector<16xf32>
        %get3A_349 = arith.constant 1 : i32
        %get3A_350 = arith.index_cast %get3A_349 : i32 to index
        %get3A_351 = arith.index_cast %add3A_286 : i32 to index
        %get3A_352 = arith.constant 16 : index
        %get3A_353 = tpu.vector_load %arg6[%get3A_350, %get3A_351, %get3A_352] {strides = array<i32>} : memref<4x100x128xf32, #tpu.memory_space<vmem>>, vector<1x1x16xf32>,
        %get3A_354 = vector.shape_cast %get3A_353 : vector<1x1x16xf32> to vector<16xf32>
        %add3A_355 = arith.addf %add3A_299, %get3A_354 : vector<16xf32>
        %get3A_356 = arith.constant 1 : i32
        %get3A_357 = arith.index_cast %get3A_356 : i32 to index
        %get3A_358 = arith.index_cast %add3A_286 : i32 to index
        %get3A_359 = arith.constant 32 : index
        %get3A_360 = tpu.vector_load %arg6[%get3A_357, %get3A_358, %get3A_359] {strides = array<i32>} : memref<4x100x128xf32, #tpu.memory_space<vmem>>, vector<1x1x16xf32>,
        %get3A_361 = vector.shape_cast %get3A_360 : vector<1x1x16xf32> to vector<16xf32>
        %add3A_362 = arith.addf %add3A_306, %get3A_361 : vector<16xf32>
        %get3A_363 = arith.constant 1 : i32
        %get3A_364 = arith.index_cast %get3A_363 : i32 to index
        %get3A_365 = arith.index_cast %add3A_286 : i32 to index
        %get3A_366 = arith.constant 48 : index
        %get3A_367 = tpu.vector_load %arg6[%get3A_364, %get3A_365, %get3A_366] {strides = array<i32>} : memref<4x100x128xf32, #tpu.memory_space<vmem>>, vector<1x1x16xf32>,
        %get3A_368 = vector.shape_cast %get3A_367 : vector<1x1x16xf32> to vector<16xf32>
        %add3A_369 = arith.addf %add3A_313, %get3A_368 : vector<16xf32>
        %get3A_370 = arith.constant 1 : i32
        %get3A_371 = arith.index_cast %get3A_370 : i32 to index
        %get3A_372 = arith.index_cast %add3A_286 : i32 to index
        %get3A_373 = arith.constant 64 : index
        %get3A_374 = tpu.vector_load %arg6[%get3A_371, %get3A_372, %get3A_373] {strides = array<i32>} : memref<4x100x128xf32, #tpu.memory_space<vmem>>, vector<1x1x16xf32>,
        %get3A_375 = vector.shape_cast %get3A_374 : vector<1x1x16xf32> to vector<16xf32>
        %add3A_376 = arith.addf %add3A_320, %get3A_375 : vector<16xf32>
        %get3A_377 = arith.constant 1 : i32
        %get3A_378 = arith.index_cast %get3A_377 : i32 to index
        %get3A_379 = arith.index_cast %add3A_286 : i32 to index
        %get3A_380 = arith.constant 80 : index
        %get3A_381 = tpu.vector_load %arg6[%get3A_378, %get3A_379, %get3A_380] {strides = array<i32>} : memref<4x100x128xf32, #tpu.memory_space<vmem>>, vector<1x1x16xf32>,
        %get3A_382 = vector.shape_cast %get3A_381 : vector<1x1x16xf32> to vector<16xf32>
        %add3A_383 = arith.addf %add3A_327, %get3A_382 : vector<16xf32>
        %get3A_384 = arith.constant 1 : i32
        %get3A_385 = arith.index_cast %get3A_384 : i32 to index
        %get3A_386 = arith.index_cast %add3A_286 : i32 to index
        %get3A_387 = arith.constant 96 : index
        %get3A_388 = tpu.vector_load %arg6[%get3A_385, %get3A_386, %get3A_387] {strides = array<i32>} : memref<4x100x128xf32, #tpu.memory_space<vmem>>, vector<1x1x16xf32>,
        %get3A_389 = vector.shape_cast %get3A_388 : vector<1x1x16xf32> to vector<16xf32>
        %add3A_390 = arith.addf %add3A_334, %get3A_389 : vector<16xf32>
        %get3A_391 = arith.constant 1 : i32
        %get3A_392 = arith.index_cast %get3A_391 : i32 to index
        %get3A_393 = arith.index_cast %add3A_286 : i32 to index
        %get3A_394 = arith.constant 112 : index
        %get3A_395 = tpu.vector_load %arg6[%get3A_392, %get3A_393, %get3A_394] {strides = array<i32>} : memref<4x100x128xf32, #tpu.memory_space<vmem>>, vector<1x1x16xf32>,
        %get3A_396 = vector.shape_cast %get3A_395 : vector<1x1x16xf32> to vector<16xf32>
        %add3A_397 = arith.addf %add3A_341, %get3A_396 : vector<16xf32>
        scf.yield %add3A_348, %add3A_355, %add3A_362, %add3A_369, %add3A_376, %add3A_383, %add3A_390, %add3A_397 : vector<16xf32>, vector<16xf32>, vector<16xf32>, vector<16xf32>, vector<16xf32>, vector<16xf32>, vector<16xf32>, vector<16xf32>
      }
      %scan3A_117 = arith.constant 50 : i32
      %add3A_118 = arith.constant 2 : i32
      %add3A_119 = arith.addi %add3A_63, %add3A_118 : i32
      %lt3A_120 = arith.constant 128 : i32
      %lt3A_121 = arith.cmpi slt, %add3A_119, %lt3A_120 : i32
      %convert_element_type3A_122 = arith.extui %lt3A_121 : i1 to i32
      %cond3A_123 = arith.constant 0 : i32
      %cond3A_124 = arith.cmpi ne, %convert_element_type3A_122, %cond3A_123 : i32
      scf.if %cond3A_124 {
        %add3A_274 = arith.constant 2 : i32
        %add3A_275 = arith.addi %add3A_63, %add3A_274 : i32
        %dma_start3A_276 = arith.constant 1 : i32
        %dma_start3A_277 = arith.constant 1 : i32
        %dma_start3A_278 = arith.constant 0 : i32
        %dma_start3A_279 = arith.constant 0 : i32
        %dma_start3A_280 = tpu.memref_slice %arg6[%dma_start3A_277, %dma_start3A_278, %dma_start3A_279] : memref<4x100x128xf32, #tpu.memory_space<vmem>> -> memref<1x100x128xf32, #tpu.memory_space<vmem>>
        %dma_start3A_281 = tpu.memref_squeeze %dma_start3A_280 : memref<1x100x128xf32, #tpu.memory_space<vmem>> -> memref<100x128xf32, #tpu.memory_space<vmem>>
        %dma_start3A_282 = arith.constant 0 : i32
        %dma_start3A_283 = tpu.memref_slice %arg5[%add3A_275, %dma_start3A_276, %dma_start3A_282] : memref<128x2x100xi32, #tpu.memory_space<vmem>> -> memref<1x1x100xi32, #tpu.memory_space<vmem>>
        %dma_start3A_284 = tpu.memref_squeeze %dma_start3A_283 : memref<1x1x100xi32, #tpu.memory_space<vmem>> -> memref<100xi32, #tpu.memory_space<vmem>>
        %dma_start3A_285 = arith.constant 0 : i32
        %dma_start3A_286 = arith.constant 0 : i32
        %dma_start3A_287 = tpu.memref_slice %arg3[%dma_start3A_285, %dma_start3A_286] : memref<1000000x128xf32, #tpu.memory_space<hbm>> -> memref<1000000x128xf32, #tpu.memory_space<hbm>>
        tpu.enqueue_indirect_dma source(%dma_start3A_287 : memref<1000000x128xf32, #tpu.memory_space<hbm>>) target(%dma_start3A_281 : memref<100x128xf32, #tpu.memory_space<vmem>>) offsets(%dma_start3A_284 : memref<100xi32, #tpu.memory_space<vmem>>) semaphore(%arg9 : memref<!tpu.dma_semaphore, #tpu.memory_space<semaphore_mem>>)
      } else {
      }
      %swap3A = arith.index_cast %add3A_63 : i32 to index
      %swap3A_125 = arith.constant 0 : index
      %swap3A_126 = tpu.vector_load %arg7[%swap3A, %swap3A_125] {strides = array<i32>} : memref<128x128xf32, #tpu.memory_space<vmem>>, vector<1x16xf32>,
      %swap3A_127 = vector.shape_cast %swap3A_126 : vector<1x16xf32> to vector<16xf32>
      %swap3A_128 = vector.shape_cast %scan3A_116#0 : vector<16xf32> to vector<1x16xf32>
      tpu.vector_store %arg7[%swap3A, %swap3A_125], %swap3A_128 {strides = array<i32>} : memref<128x128xf32, #tpu.memory_space<vmem>>, vector<1x16xf32>,
      %swap3A_129 = arith.index_cast %add3A_63 : i32 to index
      %swap3A_130 = arith.constant 16 : index
      %swap3A_131 = tpu.vector_load %arg7[%swap3A_129, %swap3A_130] {strides = array<i32>} : memref<128x128xf32, #tpu.memory_space<vmem>>, vector<1x16xf32>,
      %swap3A_132 = vector.shape_cast %swap3A_131 : vector<1x16xf32> to vector<16xf32>
      %swap3A_133 = vector.shape_cast %scan3A_116#1 : vector<16xf32> to vector<1x16xf32>
      tpu.vector_store %arg7[%swap3A_129, %swap3A_130], %swap3A_133 {strides = array<i32>} : memref<128x128xf32, #tpu.memory_space<vmem>>, vector<1x16xf32>,
      %swap3A_134 = arith.index_cast %add3A_63 : i32 to index
      %swap3A_135 = arith.constant 32 : index
      %swap3A_136 = tpu.vector_load %arg7[%swap3A_134, %swap3A_135] {strides = array<i32>} : memref<128x128xf32, #tpu.memory_space<vmem>>, vector<1x16xf32>,
      %swap3A_137 = vector.shape_cast %swap3A_136 : vector<1x16xf32> to vector<16xf32>
      %swap3A_138 = vector.shape_cast %scan3A_116#2 : vector<16xf32> to vector<1x16xf32>
      tpu.vector_store %arg7[%swap3A_134, %swap3A_135], %swap3A_138 {strides = array<i32>} : memref<128x128xf32, #tpu.memory_space<vmem>>, vector<1x16xf32>,
      %swap3A_139 = arith.index_cast %add3A_63 : i32 to index
      %swap3A_140 = arith.constant 48 : index
      %swap3A_141 = tpu.vector_load %arg7[%swap3A_139, %swap3A_140] {strides = array<i32>} : memref<128x128xf32, #tpu.memory_space<vmem>>, vector<1x16xf32>,
      %swap3A_142 = vector.shape_cast %swap3A_141 : vector<1x16xf32> to vector<16xf32>
      %swap3A_143 = vector.shape_cast %scan3A_116#3 : vector<16xf32> to vector<1x16xf32>
      tpu.vector_store %arg7[%swap3A_139, %swap3A_140], %swap3A_143 {strides = array<i32>} : memref<128x128xf32, #tpu.memory_space<vmem>>, vector<1x16xf32>,
      %swap3A_144 = arith.index_cast %add3A_63 : i32 to index
      %swap3A_145 = arith.constant 64 : index
      %swap3A_146 = tpu.vector_load %arg7[%swap3A_144, %swap3A_145] {strides = array<i32>} : memref<128x128xf32, #tpu.memory_space<vmem>>, vector<1x16xf32>,
      %swap3A_147 = vector.shape_cast %swap3A_146 : vector<1x16xf32> to vector<16xf32>
      %swap3A_148 = vector.shape_cast %scan3A_116#4 : vector<16xf32> to vector<1x16xf32>
      tpu.vector_store %arg7[%swap3A_144, %swap3A_145], %swap3A_148 {strides = array<i32>} : memref<128x128xf32, #tpu.memory_space<vmem>>, vector<1x16xf32>,
      %swap3A_149 = arith.index_cast %add3A_63 : i32 to index
      %swap3A_150 = arith.constant 80 : index
      %swap3A_151 = tpu.vector_load %arg7[%swap3A_149, %swap3A_150] {strides = array<i32>} : memref<128x128xf32, #tpu.memory_space<vmem>>, vector<1x16xf32>,
      %swap3A_152 = vector.shape_cast %swap3A_151 : vector<1x16xf32> to vector<16xf32>
      %swap3A_153 = vector.shape_cast %scan3A_116#5 : vector<16xf32> to vector<1x16xf32>
      tpu.vector_store %arg7[%swap3A_149, %swap3A_150], %swap3A_153 {strides = array<i32>} : memref<128x128xf32, #tpu.memory_space<vmem>>, vector<1x16xf32>,
      %swap3A_154 = arith.index_cast %add3A_63 : i32 to index
      %swap3A_155 = arith.constant 96 : index
      %swap3A_156 = tpu.vector_load %arg7[%swap3A_154, %swap3A_155] {strides = array<i32>} : memref<128x128xf32, #tpu.memory_space<vmem>>, vector<1x16xf32>,
      %swap3A_157 = vector.shape_cast %swap3A_156 : vector<1x16xf32> to vector<16xf32>
      %swap3A_158 = vector.shape_cast %scan3A_116#6 : vector<16xf32> to vector<1x16xf32>
      tpu.vector_store %arg7[%swap3A_154, %swap3A_155], %swap3A_158 {strides = array<i32>} : memref<128x128xf32, #tpu.memory_space<vmem>>, vector<1x16xf32>,
      %swap3A_159 = arith.index_cast %add3A_63 : i32 to index
      %swap3A_160 = arith.constant 112 : index
      %swap3A_161 = tpu.vector_load %arg7[%swap3A_159, %swap3A_160] {strides = array<i32>} : memref<128x128xf32, #tpu.memory_space<vmem>>, vector<1x16xf32>,
      %swap3A_162 = vector.shape_cast %swap3A_161 : vector<1x16xf32> to vector<16xf32>
      %swap3A_163 = vector.shape_cast %scan3A_116#7 : vector<16xf32> to vector<1x16xf32>
      tpu.vector_store %arg7[%swap3A_159, %swap3A_160], %swap3A_163 {strides = array<i32>} : memref<128x128xf32, #tpu.memory_space<vmem>>, vector<1x16xf32>,
      %mul3A_164 = arith.constant 2 : i32
      %mul3A_165 = arith.muli %mul3A_164, %scan3A_59 : i32
      %add3A_166 = arith.constant 1 : i32
      %add3A_167 = arith.addi %mul3A_165, %add3A_166 : i32
      %broadcast_in_dim3A_168 = arith.constant 0.000000e+00 : f32
      %broadcast_in_dim3A_169 = vector.broadcast %broadcast_in_dim3A_168 : f32 to vector<16xf32>
      %broadcast_in_dim3A_170 = arith.constant 0.000000e+00 : f32
      %broadcast_in_dim3A_171 = vector.broadcast %broadcast_in_dim3A_170 : f32 to vector<16xf32>
      %broadcast_in_dim3A_172 = arith.constant 0.000000e+00 : f32
      %broadcast_in_dim3A_173 = vector.broadcast %broadcast_in_dim3A_172 : f32 to vector<16xf32>
      %broadcast_in_dim3A_174 = arith.constant 0.000000e+00 : f32
      %broadcast_in_dim3A_175 = vector.broadcast %broadcast_in_dim3A_174 : f32 to vector<16xf32>
      %broadcast_in_dim3A_176 = arith.constant 0.000000e+00 : f32
      %broadcast_in_dim3A_177 = vector.broadcast %broadcast_in_dim3A_176 : f32 to vector<16xf32>
      %broadcast_in_dim3A_178 = arith.constant 0.000000e+00 : f32
      %broadcast_in_dim3A_179 = vector.broadcast %broadcast_in_dim3A_178 : f32 to vector<16xf32>
      %broadcast_in_dim3A_180 = arith.constant 0.000000e+00 : f32
      %broadcast_in_dim3A_181 = vector.broadcast %broadcast_in_dim3A_180 : f32 to vector<16xf32>
      %broadcast_in_dim3A_182 = arith.constant 0.000000e+00 : f32
      %broadcast_in_dim3A_183 = vector.broadcast %broadcast_in_dim3A_182 : f32 to vector<16xf32>
      %dma_wait3A_184 = arith.constant 0 : i32
      %dma_wait3A_185 = arith.constant 2 : i32
      %dma_wait3A_186 = arith.constant 0 : i32
      %dma_wait3A_187 = arith.constant 0 : i32
      %dma_wait3A_188 = tpu.memref_slice %arg6[%dma_wait3A_185, %dma_wait3A_186, %dma_wait3A_187] : memref<4x100x128xf32, #tpu.memory_space<vmem>> -> memref<1x100x128xf32, #tpu.memory_space<vmem>>
      %dma_wait3A_189 = tpu.memref_squeeze %dma_wait3A_188 : memref<1x100x128xf32, #tpu.memory_space<vmem>> -> memref<100x128xf32, #tpu.memory_space<vmem>>
      %dma_wait3A_190 = arith.constant 0 : i32
      %dma_wait3A_191 = tpu.memref_slice %arg5[%add3A_167, %dma_wait3A_184, %dma_wait3A_190] : memref<128x2x100xi32, #tpu.memory_space<vmem>> -> memref<1x1x100xi32, #tpu.memory_space<vmem>>
      %dma_wait3A_192 = tpu.memref_squeeze %dma_wait3A_191 : memref<1x1x100xi32, #tpu.memory_space<vmem>> -> memref<100xi32, #tpu.memory_space<vmem>>
      %dma_wait3A_193 = arith.constant 0 : i32
      %dma_wait3A_194 = arith.constant 0 : i32
      %dma_wait3A_195 = tpu.memref_slice %arg3[%dma_wait3A_193, %dma_wait3A_194] : memref<1000000x128xf32, #tpu.memory_space<hbm>> -> memref<1000000x128xf32, #tpu.memory_space<hbm>>
      tpu.wait_indirect_dma semaphore(%arg10 : memref<!tpu.dma_semaphore, #tpu.memory_space<semaphore_mem>>) src(%dma_wait3A_195 : memref<1000000x128xf32, #tpu.memory_space<hbm>>) dst(%dma_wait3A_189 : memref<100x128xf32, #tpu.memory_space<vmem>>)
      %scan3A_196 = arith.constant 0 : i32
      %scan3A_197 = arith.constant 50 : i32
      %scan3A_198 = arith.addi %scan3A_196, %scan3A_197 : i32
      %scan3A_199 = arith.constant 1 : i32
      %scan3A_200:8 = scf.for %scan3A_274 = %scan3A_196 to %scan3A_198 step %scan3A_199 iter_args(%scan3A_275 = %broadcast_in_dim3A_169, %scan3A_276 = %broadcast_in_dim3A_171, %scan3A_277 = %broadcast_in_dim3A_173, %scan3A_278 = %broadcast_in_dim3A_175, %scan3A_279 = %broadcast_in_dim3A_177, %scan3A_280 = %broadcast_in_dim3A_179, %scan3A_281 = %broadcast_in_dim3A_181, %scan3A_282 = %broadcast_in_dim3A_183) -> (vector<16xf32>, vector<16xf32>, vector<16xf32>, vector<16xf32>, vector<16xf32>, vector<16xf32>, vector<16xf32>, vector<16xf32>)  : i32 {
        %mul3A_283 = arith.constant 2 : i32
        %mul3A_284 = arith.muli %mul3A_283, %scan3A_274 : i32
        %add3A_285 = arith.constant 1 : i32
        %add3A_286 = arith.addi %mul3A_284, %add3A_285 : i32
        %get3A = arith.constant 2 : i32
        %get3A_287 = arith.index_cast %get3A : i32 to index
        %get3A_288 = arith.index_cast %mul3A_284 : i32 to index
        %get3A_289 = arith.constant 0 : index
        %get3A_290 = tpu.vector_load %arg6[%get3A_287, %get3A_288, %get3A_289] {strides = array<i32>} : memref<4x100x128xf32, #tpu.memory_space<vmem>>, vector<1x1x16xf32>,
        %get3A_291 = vector.shape_cast %get3A_290 : vector<1x1x16xf32> to vector<16xf32>
        %add3A_292 = arith.addf %scan3A_275, %get3A_291 : vector<16xf32>
        %get3A_293 = arith.constant 2 : i32
        %get3A_294 = arith.index_cast %get3A_293 : i32 to index
        %get3A_295 = arith.index_cast %mul3A_284 : i32 to index
        %get3A_296 = arith.constant 16 : index
        %get3A_297 = tpu.vector_load %arg6[%get3A_294, %get3A_295, %get3A_296] {strides = array<i32>} : memref<4x100x128xf32, #tpu.memory_space<vmem>>, vector<1x1x16xf32>,
        %get3A_298 = vector.shape_cast %get3A_297 : vector<1x1x16xf32> to vector<16xf32>
        %add3A_299 = arith.addf %scan3A_276, %get3A_298 : vector<16xf32>
        %get3A_300 = arith.constant 2 : i32
        %get3A_301 = arith.index_cast %get3A_300 : i32 to index
        %get3A_302 = arith.index_cast %mul3A_284 : i32 to index
        %get3A_303 = arith.constant 32 : index
        %get3A_304 = tpu.vector_load %arg6[%get3A_301, %get3A_302, %get3A_303] {strides = array<i32>} : memref<4x100x128xf32, #tpu.memory_space<vmem>>, vector<1x1x16xf32>,
        %get3A_305 = vector.shape_cast %get3A_304 : vector<1x1x16xf32> to vector<16xf32>
        %add3A_306 = arith.addf %scan3A_277, %get3A_305 : vector<16xf32>
        %get3A_307 = arith.constant 2 : i32
        %get3A_308 = arith.index_cast %get3A_307 : i32 to index
        %get3A_309 = arith.index_cast %mul3A_284 : i32 to index
        %get3A_310 = arith.constant 48 : index
        %get3A_311 = tpu.vector_load %arg6[%get3A_308, %get3A_309, %get3A_310] {strides = array<i32>} : memref<4x100x128xf32, #tpu.memory_space<vmem>>, vector<1x1x16xf32>,
        %get3A_312 = vector.shape_cast %get3A_311 : vector<1x1x16xf32> to vector<16xf32>
        %add3A_313 = arith.addf %scan3A_278, %get3A_312 : vector<16xf32>
        %get3A_314 = arith.constant 2 : i32
        %get3A_315 = arith.index_cast %get3A_314 : i32 to index
        %get3A_316 = arith.index_cast %mul3A_284 : i32 to index
        %get3A_317 = arith.constant 64 : index
        %get3A_318 = tpu.vector_load %arg6[%get3A_315, %get3A_316, %get3A_317] {strides = array<i32>} : memref<4x100x128xf32, #tpu.memory_space<vmem>>, vector<1x1x16xf32>,
        %get3A_319 = vector.shape_cast %get3A_318 : vector<1x1x16xf32> to vector<16xf32>
        %add3A_320 = arith.addf %scan3A_279, %get3A_319 : vector<16xf32>
        %get3A_321 = arith.constant 2 : i32
        %get3A_322 = arith.index_cast %get3A_321 : i32 to index
        %get3A_323 = arith.index_cast %mul3A_284 : i32 to index
        %get3A_324 = arith.constant 80 : index
        %get3A_325 = tpu.vector_load %arg6[%get3A_322, %get3A_323, %get3A_324] {strides = array<i32>} : memref<4x100x128xf32, #tpu.memory_space<vmem>>, vector<1x1x16xf32>,
        %get3A_326 = vector.shape_cast %get3A_325 : vector<1x1x16xf32> to vector<16xf32>
        %add3A_327 = arith.addf %scan3A_280, %get3A_326 : vector<16xf32>
        %get3A_328 = arith.constant 2 : i32
        %get3A_329 = arith.index_cast %get3A_328 : i32 to index
        %get3A_330 = arith.index_cast %mul3A_284 : i32 to index
        %get3A_331 = arith.constant 96 : index
        %get3A_332 = tpu.vector_load %arg6[%get3A_329, %get3A_330, %get3A_331] {strides = array<i32>} : memref<4x100x128xf32, #tpu.memory_space<vmem>>, vector<1x1x16xf32>,
        %get3A_333 = vector.shape_cast %get3A_332 : vector<1x1x16xf32> to vector<16xf32>
        %add3A_334 = arith.addf %scan3A_281, %get3A_333 : vector<16xf32>
        %get3A_335 = arith.constant 2 : i32
        %get3A_336 = arith.index_cast %get3A_335 : i32 to index
        %get3A_337 = arith.index_cast %mul3A_284 : i32 to index
        %get3A_338 = arith.constant 112 : index
        %get3A_339 = tpu.vector_load %arg6[%get3A_336, %get3A_337, %get3A_338] {strides = array<i32>} : memref<4x100x128xf32, #tpu.memory_space<vmem>>, vector<1x1x16xf32>,
        %get3A_340 = vector.shape_cast %get3A_339 : vector<1x1x16xf32> to vector<16xf32>
        %add3A_341 = arith.addf %scan3A_282, %get3A_340 : vector<16xf32>
        %get3A_342 = arith.constant 2 : i32
        %get3A_343 = arith.index_cast %get3A_342 : i32 to index
        %get3A_344 = arith.index_cast %add3A_286 : i32 to index
        %get3A_345 = arith.constant 0 : index
        %get3A_346 = tpu.vector_load %arg6[%get3A_343, %get3A_344, %get3A_345] {strides = array<i32>} : memref<4x100x128xf32, #tpu.memory_space<vmem>>, vector<1x1x16xf32>,
        %get3A_347 = vector.shape_cast %get3A_346 : vector<1x1x16xf32> to vector<16xf32>
        %add3A_348 = arith.addf %add3A_292, %get3A_347 : vector<16xf32>
        %get3A_349 = arith.constant 2 : i32
        %get3A_350 = arith.index_cast %get3A_349 : i32 to index
        %get3A_351 = arith.index_cast %add3A_286 : i32 to index
        %get3A_352 = arith.constant 16 : index
        %get3A_353 = tpu.vector_load %arg6[%get3A_350, %get3A_351, %get3A_352] {strides = array<i32>} : memref<4x100x128xf32, #tpu.memory_space<vmem>>, vector<1x1x16xf32>,
        %get3A_354 = vector.shape_cast %get3A_353 : vector<1x1x16xf32> to vector<16xf32>
        %add3A_355 = arith.addf %add3A_299, %get3A_354 : vector<16xf32>
        %get3A_356 = arith.constant 2 : i32
        %get3A_357 = arith.index_cast %get3A_356 : i32 to index
        %get3A_358 = arith.index_cast %add3A_286 : i32 to index
        %get3A_359 = arith.constant 32 : index
        %get3A_360 = tpu.vector_load %arg6[%get3A_357, %get3A_358, %get3A_359] {strides = array<i32>} : memref<4x100x128xf32, #tpu.memory_space<vmem>>, vector<1x1x16xf32>,
        %get3A_361 = vector.shape_cast %get3A_360 : vector<1x1x16xf32> to vector<16xf32>
        %add3A_362 = arith.addf %add3A_306, %get3A_361 : vector<16xf32>
        %get3A_363 = arith.constant 2 : i32
        %get3A_364 = arith.index_cast %get3A_363 : i32 to index
        %get3A_365 = arith.index_cast %add3A_286 : i32 to index
        %get3A_366 = arith.constant 48 : index
        %get3A_367 = tpu.vector_load %arg6[%get3A_364, %get3A_365, %get3A_366] {strides = array<i32>} : memref<4x100x128xf32, #tpu.memory_space<vmem>>, vector<1x1x16xf32>,
        %get3A_368 = vector.shape_cast %get3A_367 : vector<1x1x16xf32> to vector<16xf32>
        %add3A_369 = arith.addf %add3A_313, %get3A_368 : vector<16xf32>
        %get3A_370 = arith.constant 2 : i32
        %get3A_371 = arith.index_cast %get3A_370 : i32 to index
        %get3A_372 = arith.index_cast %add3A_286 : i32 to index
        %get3A_373 = arith.constant 64 : index
        %get3A_374 = tpu.vector_load %arg6[%get3A_371, %get3A_372, %get3A_373] {strides = array<i32>} : memref<4x100x128xf32, #tpu.memory_space<vmem>>, vector<1x1x16xf32>,
        %get3A_375 = vector.shape_cast %get3A_374 : vector<1x1x16xf32> to vector<16xf32>
        %add3A_376 = arith.addf %add3A_320, %get3A_375 : vector<16xf32>
        %get3A_377 = arith.constant 2 : i32
        %get3A_378 = arith.index_cast %get3A_377 : i32 to index
        %get3A_379 = arith.index_cast %add3A_286 : i32 to index
        %get3A_380 = arith.constant 80 : index
        %get3A_381 = tpu.vector_load %arg6[%get3A_378, %get3A_379, %get3A_380] {strides = array<i32>} : memref<4x100x128xf32, #tpu.memory_space<vmem>>, vector<1x1x16xf32>,
        %get3A_382 = vector.shape_cast %get3A_381 : vector<1x1x16xf32> to vector<16xf32>
        %add3A_383 = arith.addf %add3A_327, %get3A_382 : vector<16xf32>
        %get3A_384 = arith.constant 2 : i32
        %get3A_385 = arith.index_cast %get3A_384 : i32 to index
        %get3A_386 = arith.index_cast %add3A_286 : i32 to index
        %get3A_387 = arith.constant 96 : index
        %get3A_388 = tpu.vector_load %arg6[%get3A_385, %get3A_386, %get3A_387] {strides = array<i32>} : memref<4x100x128xf32, #tpu.memory_space<vmem>>, vector<1x1x16xf32>,
        %get3A_389 = vector.shape_cast %get3A_388 : vector<1x1x16xf32> to vector<16xf32>
        %add3A_390 = arith.addf %add3A_334, %get3A_389 : vector<16xf32>
        %get3A_391 = arith.constant 2 : i32
        %get3A_392 = arith.index_cast %get3A_391 : i32 to index
        %get3A_393 = arith.index_cast %add3A_286 : i32 to index
        %get3A_394 = arith.constant 112 : index
        %get3A_395 = tpu.vector_load %arg6[%get3A_392, %get3A_393, %get3A_394] {strides = array<i32>} : memref<4x100x128xf32, #tpu.memory_space<vmem>>, vector<1x1x16xf32>,
        %get3A_396 = vector.shape_cast %get3A_395 : vector<1x1x16xf32> to vector<16xf32>
        %add3A_397 = arith.addf %add3A_341, %get3A_396 : vector<16xf32>
        scf.yield %add3A_348, %add3A_355, %add3A_362, %add3A_369, %add3A_376, %add3A_383, %add3A_390, %add3A_397 : vector<16xf32>, vector<16xf32>, vector<16xf32>, vector<16xf32>, vector<16xf32>, vector<16xf32>, vector<16xf32>, vector<16xf32>
      }
      %scan3A_201 = arith.constant 50 : i32
      %add3A_202 = arith.constant 2 : i32
      %add3A_203 = arith.addi %add3A_167, %add3A_202 : i32
      %lt3A_204 = arith.constant 128 : i32
      %lt3A_205 = arith.cmpi slt, %add3A_203, %lt3A_204 : i32
      %convert_element_type3A_206 = arith.extui %lt3A_205 : i1 to i32
      %cond3A_207 = arith.constant 0 : i32
      %cond3A_208 = arith.cmpi ne, %convert_element_type3A_206, %cond3A_207 : i32
      scf.if %cond3A_208 {
        %add3A_274 = arith.constant 2 : i32
        %add3A_275 = arith.addi %add3A_167, %add3A_274 : i32
        %dma_start3A_276 = arith.constant 0 : i32
        %dma_start3A_277 = arith.constant 2 : i32
        %dma_start3A_278 = arith.constant 0 : i32
        %dma_start3A_279 = arith.constant 0 : i32
        %dma_start3A_280 = tpu.memref_slice %arg6[%dma_start3A_277, %dma_start3A_278, %dma_start3A_279] : memref<4x100x128xf32, #tpu.memory_space<vmem>> -> memref<1x100x128xf32, #tpu.memory_space<vmem>>
        %dma_start3A_281 = tpu.memref_squeeze %dma_start3A_280 : memref<1x100x128xf32, #tpu.memory_space<vmem>> -> memref<100x128xf32, #tpu.memory_space<vmem>>
        %dma_start3A_282 = arith.constant 0 : i32
        %dma_start3A_283 = tpu.memref_slice %arg5[%add3A_275, %dma_start3A_276, %dma_start3A_282] : memref<128x2x100xi32, #tpu.memory_space<vmem>> -> memref<1x1x100xi32, #tpu.memory_space<vmem>>
        %dma_start3A_284 = tpu.memref_squeeze %dma_start3A_283 : memref<1x1x100xi32, #tpu.memory_space<vmem>> -> memref<100xi32, #tpu.memory_space<vmem>>
        %dma_start3A_285 = arith.constant 0 : i32
        %dma_start3A_286 = arith.constant 0 : i32
        %dma_start3A_287 = tpu.memref_slice %arg3[%dma_start3A_285, %dma_start3A_286] : memref<1000000x128xf32, #tpu.memory_space<hbm>> -> memref<1000000x128xf32, #tpu.memory_space<hbm>>
        tpu.enqueue_indirect_dma source(%dma_start3A_287 : memref<1000000x128xf32, #tpu.memory_space<hbm>>) target(%dma_start3A_281 : memref<100x128xf32, #tpu.memory_space<vmem>>) offsets(%dma_start3A_284 : memref<100xi32, #tpu.memory_space<vmem>>) semaphore(%arg10 : memref<!tpu.dma_semaphore, #tpu.memory_space<semaphore_mem>>)
      } else {
      }
      %dma_wait3A_209 = arith.constant 1 : i32
      %dma_wait3A_210 = arith.constant 3 : i32
      %dma_wait3A_211 = arith.constant 0 : i32
      %dma_wait3A_212 = arith.constant 0 : i32
      %dma_wait3A_213 = tpu.memref_slice %arg6[%dma_wait3A_210, %dma_wait3A_211, %dma_wait3A_212] : memref<4x100x128xf32, #tpu.memory_space<vmem>> -> memref<1x100x128xf32, #tpu.memory_space<vmem>>
      %dma_wait3A_214 = tpu.memref_squeeze %dma_wait3A_213 : memref<1x100x128xf32, #tpu.memory_space<vmem>> -> memref<100x128xf32, #tpu.memory_space<vmem>>
      %dma_wait3A_215 = arith.constant 0 : i32
      %dma_wait3A_216 = tpu.memref_slice %arg5[%add3A_167, %dma_wait3A_209, %dma_wait3A_215] : memref<128x2x100xi32, #tpu.memory_space<vmem>> -> memref<1x1x100xi32, #tpu.memory_space<vmem>>
      %dma_wait3A_217 = tpu.memref_squeeze %dma_wait3A_216 : memref<1x1x100xi32, #tpu.memory_space<vmem>> -> memref<100xi32, #tpu.memory_space<vmem>>
      %dma_wait3A_218 = arith.constant 0 : i32
      %dma_wait3A_219 = arith.constant 0 : i32
      %dma_wait3A_220 = tpu.memref_slice %arg3[%dma_wait3A_218, %dma_wait3A_219] : memref<1000000x128xf32, #tpu.memory_space<hbm>> -> memref<1000000x128xf32, #tpu.memory_space<hbm>>
      tpu.wait_indirect_dma semaphore(%arg11 : memref<!tpu.dma_semaphore, #tpu.memory_space<semaphore_mem>>) src(%dma_wait3A_220 : memref<1000000x128xf32, #tpu.memory_space<hbm>>) dst(%dma_wait3A_214 : memref<100x128xf32, #tpu.memory_space<vmem>>)
      %scan3A_221 = arith.constant 0 : i32
      %scan3A_222 = arith.constant 50 : i32
      %scan3A_223 = arith.addi %scan3A_221, %scan3A_222 : i32
      %scan3A_224 = arith.constant 1 : i32
      %scan3A_225:8 = scf.for %scan3A_274 = %scan3A_221 to %scan3A_223 step %scan3A_224 iter_args(%scan3A_275 = %scan3A_200#0, %scan3A_276 = %scan3A_200#1, %scan3A_277 = %scan3A_200#2, %scan3A_278 = %scan3A_200#3, %scan3A_279 = %scan3A_200#4, %scan3A_280 = %scan3A_200#5, %scan3A_281 = %scan3A_200#6, %scan3A_282 = %scan3A_200#7) -> (vector<16xf32>, vector<16xf32>, vector<16xf32>, vector<16xf32>, vector<16xf32>, vector<16xf32>, vector<16xf32>, vector<16xf32>)  : i32 {
        %mul3A_283 = arith.constant 2 : i32
        %mul3A_284 = arith.muli %mul3A_283, %scan3A_274 : i32
        %add3A_285 = arith.constant 1 : i32
        %add3A_286 = arith.addi %mul3A_284, %add3A_285 : i32
        %get3A = arith.constant 3 : i32
        %get3A_287 = arith.index_cast %get3A : i32 to index
        %get3A_288 = arith.index_cast %mul3A_284 : i32 to index
        %get3A_289 = arith.constant 0 : index
        %get3A_290 = tpu.vector_load %arg6[%get3A_287, %get3A_288, %get3A_289] {strides = array<i32>} : memref<4x100x128xf32, #tpu.memory_space<vmem>>, vector<1x1x16xf32>,
        %get3A_291 = vector.shape_cast %get3A_290 : vector<1x1x16xf32> to vector<16xf32>
        %add3A_292 = arith.addf %scan3A_275, %get3A_291 : vector<16xf32>
        %get3A_293 = arith.constant 3 : i32
        %get3A_294 = arith.index_cast %get3A_293 : i32 to index
        %get3A_295 = arith.index_cast %mul3A_284 : i32 to index
        %get3A_296 = arith.constant 16 : index
        %get3A_297 = tpu.vector_load %arg6[%get3A_294, %get3A_295, %get3A_296] {strides = array<i32>} : memref<4x100x128xf32, #tpu.memory_space<vmem>>, vector<1x1x16xf32>,
        %get3A_298 = vector.shape_cast %get3A_297 : vector<1x1x16xf32> to vector<16xf32>
        %add3A_299 = arith.addf %scan3A_276, %get3A_298 : vector<16xf32>
        %get3A_300 = arith.constant 3 : i32
        %get3A_301 = arith.index_cast %get3A_300 : i32 to index
        %get3A_302 = arith.index_cast %mul3A_284 : i32 to index
        %get3A_303 = arith.constant 32 : index
        %get3A_304 = tpu.vector_load %arg6[%get3A_301, %get3A_302, %get3A_303] {strides = array<i32>} : memref<4x100x128xf32, #tpu.memory_space<vmem>>, vector<1x1x16xf32>,
        %get3A_305 = vector.shape_cast %get3A_304 : vector<1x1x16xf32> to vector<16xf32>
        %add3A_306 = arith.addf %scan3A_277, %get3A_305 : vector<16xf32>
        %get3A_307 = arith.constant 3 : i32
        %get3A_308 = arith.index_cast %get3A_307 : i32 to index
        %get3A_309 = arith.index_cast %mul3A_284 : i32 to index
        %get3A_310 = arith.constant 48 : index
        %get3A_311 = tpu.vector_load %arg6[%get3A_308, %get3A_309, %get3A_310] {strides = array<i32>} : memref<4x100x128xf32, #tpu.memory_space<vmem>>, vector<1x1x16xf32>,
        %get3A_312 = vector.shape_cast %get3A_311 : vector<1x1x16xf32> to vector<16xf32>
        %add3A_313 = arith.addf %scan3A_278, %get3A_312 : vector<16xf32>
        %get3A_314 = arith.constant 3 : i32
        %get3A_315 = arith.index_cast %get3A_314 : i32 to index
        %get3A_316 = arith.index_cast %mul3A_284 : i32 to index
        %get3A_317 = arith.constant 64 : index
        %get3A_318 = tpu.vector_load %arg6[%get3A_315, %get3A_316, %get3A_317] {strides = array<i32>} : memref<4x100x128xf32, #tpu.memory_space<vmem>>, vector<1x1x16xf32>,
        %get3A_319 = vector.shape_cast %get3A_318 : vector<1x1x16xf32> to vector<16xf32>
        %add3A_320 = arith.addf %scan3A_279, %get3A_319 : vector<16xf32>
        %get3A_321 = arith.constant 3 : i32
        %get3A_322 = arith.index_cast %get3A_321 : i32 to index
        %get3A_323 = arith.index_cast %mul3A_284 : i32 to index
        %get3A_324 = arith.constant 80 : index
        %get3A_325 = tpu.vector_load %arg6[%get3A_322, %get3A_323, %get3A_324] {strides = array<i32>} : memref<4x100x128xf32, #tpu.memory_space<vmem>>, vector<1x1x16xf32>,
        %get3A_326 = vector.shape_cast %get3A_325 : vector<1x1x16xf32> to vector<16xf32>
        %add3A_327 = arith.addf %scan3A_280, %get3A_326 : vector<16xf32>
        %get3A_328 = arith.constant 3 : i32
        %get3A_329 = arith.index_cast %get3A_328 : i32 to index
        %get3A_330 = arith.index_cast %mul3A_284 : i32 to index
        %get3A_331 = arith.constant 96 : index
        %get3A_332 = tpu.vector_load %arg6[%get3A_329, %get3A_330, %get3A_331] {strides = array<i32>} : memref<4x100x128xf32, #tpu.memory_space<vmem>>, vector<1x1x16xf32>,
        %get3A_333 = vector.shape_cast %get3A_332 : vector<1x1x16xf32> to vector<16xf32>
        %add3A_334 = arith.addf %scan3A_281, %get3A_333 : vector<16xf32>
        %get3A_335 = arith.constant 3 : i32
        %get3A_336 = arith.index_cast %get3A_335 : i32 to index
        %get3A_337 = arith.index_cast %mul3A_284 : i32 to index
        %get3A_338 = arith.constant 112 : index
        %get3A_339 = tpu.vector_load %arg6[%get3A_336, %get3A_337, %get3A_338] {strides = array<i32>} : memref<4x100x128xf32, #tpu.memory_space<vmem>>, vector<1x1x16xf32>,
        %get3A_340 = vector.shape_cast %get3A_339 : vector<1x1x16xf32> to vector<16xf32>
        %add3A_341 = arith.addf %scan3A_282, %get3A_340 : vector<16xf32>
        %get3A_342 = arith.constant 3 : i32
        %get3A_343 = arith.index_cast %get3A_342 : i32 to index
        %get3A_344 = arith.index_cast %add3A_286 : i32 to index
        %get3A_345 = arith.constant 0 : index
        %get3A_346 = tpu.vector_load %arg6[%get3A_343, %get3A_344, %get3A_345] {strides = array<i32>} : memref<4x100x128xf32, #tpu.memory_space<vmem>>, vector<1x1x16xf32>,
        %get3A_347 = vector.shape_cast %get3A_346 : vector<1x1x16xf32> to vector<16xf32>
        %add3A_348 = arith.addf %add3A_292, %get3A_347 : vector<16xf32>
        %get3A_349 = arith.constant 3 : i32
        %get3A_350 = arith.index_cast %get3A_349 : i32 to index
        %get3A_351 = arith.index_cast %add3A_286 : i32 to index
        %get3A_352 = arith.constant 16 : index
        %get3A_353 = tpu.vector_load %arg6[%get3A_350, %get3A_351, %get3A_352] {strides = array<i32>} : memref<4x100x128xf32, #tpu.memory_space<vmem>>, vector<1x1x16xf32>,
        %get3A_354 = vector.shape_cast %get3A_353 : vector<1x1x16xf32> to vector<16xf32>
        %add3A_355 = arith.addf %add3A_299, %get3A_354 : vector<16xf32>
        %get3A_356 = arith.constant 3 : i32
        %get3A_357 = arith.index_cast %get3A_356 : i32 to index
        %get3A_358 = arith.index_cast %add3A_286 : i32 to index
        %get3A_359 = arith.constant 32 : index
        %get3A_360 = tpu.vector_load %arg6[%get3A_357, %get3A_358, %get3A_359] {strides = array<i32>} : memref<4x100x128xf32, #tpu.memory_space<vmem>>, vector<1x1x16xf32>,
        %get3A_361 = vector.shape_cast %get3A_360 : vector<1x1x16xf32> to vector<16xf32>
        %add3A_362 = arith.addf %add3A_306, %get3A_361 : vector<16xf32>
        %get3A_363 = arith.constant 3 : i32
        %get3A_364 = arith.index_cast %get3A_363 : i32 to index
        %get3A_365 = arith.index_cast %add3A_286 : i32 to index
        %get3A_366 = arith.constant 48 : index
        %get3A_367 = tpu.vector_load %arg6[%get3A_364, %get3A_365, %get3A_366] {strides = array<i32>} : memref<4x100x128xf32, #tpu.memory_space<vmem>>, vector<1x1x16xf32>,
        %get3A_368 = vector.shape_cast %get3A_367 : vector<1x1x16xf32> to vector<16xf32>
        %add3A_369 = arith.addf %add3A_313, %get3A_368 : vector<16xf32>
        %get3A_370 = arith.constant 3 : i32
        %get3A_371 = arith.index_cast %get3A_370 : i32 to index
        %get3A_372 = arith.index_cast %add3A_286 : i32 to index
        %get3A_373 = arith.constant 64 : index
        %get3A_374 = tpu.vector_load %arg6[%get3A_371, %get3A_372, %get3A_373] {strides = array<i32>} : memref<4x100x128xf32, #tpu.memory_space<vmem>>, vector<1x1x16xf32>,
        %get3A_375 = vector.shape_cast %get3A_374 : vector<1x1x16xf32> to vector<16xf32>
        %add3A_376 = arith.addf %add3A_320, %get3A_375 : vector<16xf32>
        %get3A_377 = arith.constant 3 : i32
        %get3A_378 = arith.index_cast %get3A_377 : i32 to index
        %get3A_379 = arith.index_cast %add3A_286 : i32 to index
        %get3A_380 = arith.constant 80 : index
        %get3A_381 = tpu.vector_load %arg6[%get3A_378, %get3A_379, %get3A_380] {strides = array<i32>} : memref<4x100x128xf32, #tpu.memory_space<vmem>>, vector<1x1x16xf32>,
        %get3A_382 = vector.shape_cast %get3A_381 : vector<1x1x16xf32> to vector<16xf32>
        %add3A_383 = arith.addf %add3A_327, %get3A_382 : vector<16xf32>
        %get3A_384 = arith.constant 3 : i32
        %get3A_385 = arith.index_cast %get3A_384 : i32 to index
        %get3A_386 = arith.index_cast %add3A_286 : i32 to index
        %get3A_387 = arith.constant 96 : index
        %get3A_388 = tpu.vector_load %arg6[%get3A_385, %get3A_386, %get3A_387] {strides = array<i32>} : memref<4x100x128xf32, #tpu.memory_space<vmem>>, vector<1x1x16xf32>,
        %get3A_389 = vector.shape_cast %get3A_388 : vector<1x1x16xf32> to vector<16xf32>
        %add3A_390 = arith.addf %add3A_334, %get3A_389 : vector<16xf32>
        %get3A_391 = arith.constant 3 : i32
        %get3A_392 = arith.index_cast %get3A_391 : i32 to index
        %get3A_393 = arith.index_cast %add3A_286 : i32 to index
        %get3A_394 = arith.constant 112 : index
        %get3A_395 = tpu.vector_load %arg6[%get3A_392, %get3A_393, %get3A_394] {strides = array<i32>} : memref<4x100x128xf32, #tpu.memory_space<vmem>>, vector<1x1x16xf32>,
        %get3A_396 = vector.shape_cast %get3A_395 : vector<1x1x16xf32> to vector<16xf32>
        %add3A_397 = arith.addf %add3A_341, %get3A_396 : vector<16xf32>
        scf.yield %add3A_348, %add3A_355, %add3A_362, %add3A_369, %add3A_376, %add3A_383, %add3A_390, %add3A_397 : vector<16xf32>, vector<16xf32>, vector<16xf32>, vector<16xf32>, vector<16xf32>, vector<16xf32>, vector<16xf32>, vector<16xf32>
      }
      %scan3A_226 = arith.constant 50 : i32
      %add3A_227 = arith.constant 2 : i32
      %add3A_228 = arith.addi %add3A_167, %add3A_227 : i32
      %lt3A_229 = arith.constant 128 : i32
      %lt3A_230 = arith.cmpi slt, %add3A_228, %lt3A_229 : i32
      %convert_element_type3A_231 = arith.extui %lt3A_230 : i1 to i32
      %cond3A_232 = arith.constant 0 : i32
      %cond3A_233 = arith.cmpi ne, %convert_element_type3A_231, %cond3A_232 : i32
      scf.if %cond3A_233 {
        %add3A_274 = arith.constant 2 : i32
        %add3A_275 = arith.addi %add3A_167, %add3A_274 : i32
        %dma_start3A_276 = arith.constant 1 : i32
        %dma_start3A_277 = arith.constant 3 : i32
        %dma_start3A_278 = arith.constant 0 : i32
        %dma_start3A_279 = arith.constant 0 : i32
        %dma_start3A_280 = tpu.memref_slice %arg6[%dma_start3A_277, %dma_start3A_278, %dma_start3A_279] : memref<4x100x128xf32, #tpu.memory_space<vmem>> -> memref<1x100x128xf32, #tpu.memory_space<vmem>>
        %dma_start3A_281 = tpu.memref_squeeze %dma_start3A_280 : memref<1x100x128xf32, #tpu.memory_space<vmem>> -> memref<100x128xf32, #tpu.memory_space<vmem>>
        %dma_start3A_282 = arith.constant 0 : i32
        %dma_start3A_283 = tpu.memref_slice %arg5[%add3A_275, %dma_start3A_276, %dma_start3A_282] : memref<128x2x100xi32, #tpu.memory_space<vmem>> -> memref<1x1x100xi32, #tpu.memory_space<vmem>>
        %dma_start3A_284 = tpu.memref_squeeze %dma_start3A_283 : memref<1x1x100xi32, #tpu.memory_space<vmem>> -> memref<100xi32, #tpu.memory_space<vmem>>
        %dma_start3A_285 = arith.constant 0 : i32
        %dma_start3A_286 = arith.constant 0 : i32
        %dma_start3A_287 = tpu.memref_slice %arg3[%dma_start3A_285, %dma_start3A_286] : memref<1000000x128xf32, #tpu.memory_space<hbm>> -> memref<1000000x128xf32, #tpu.memory_space<hbm>>
        tpu.enqueue_indirect_dma source(%dma_start3A_287 : memref<1000000x128xf32, #tpu.memory_space<hbm>>) target(%dma_start3A_281 : memref<100x128xf32, #tpu.memory_space<vmem>>) offsets(%dma_start3A_284 : memref<100xi32, #tpu.memory_space<vmem>>) semaphore(%arg11 : memref<!tpu.dma_semaphore, #tpu.memory_space<semaphore_mem>>)
      } else {
      }
      %swap3A_234 = arith.index_cast %add3A_167 : i32 to index
      %swap3A_235 = arith.constant 0 : index
      %swap3A_236 = tpu.vector_load %arg7[%swap3A_234, %swap3A_235] {strides = array<i32>} : memref<128x128xf32, #tpu.memory_space<vmem>>, vector<1x16xf32>,
      %swap3A_237 = vector.shape_cast %swap3A_236 : vector<1x16xf32> to vector<16xf32>
      %swap3A_238 = vector.shape_cast %scan3A_225#0 : vector<16xf32> to vector<1x16xf32>
      tpu.vector_store %arg7[%swap3A_234, %swap3A_235], %swap3A_238 {strides = array<i32>} : memref<128x128xf32, #tpu.memory_space<vmem>>, vector<1x16xf32>,
      %swap3A_239 = arith.index_cast %add3A_167 : i32 to index
      %swap3A_240 = arith.constant 16 : index
      %swap3A_241 = tpu.vector_load %arg7[%swap3A_239, %swap3A_240] {strides = array<i32>} : memref<128x128xf32, #tpu.memory_space<vmem>>, vector<1x16xf32>,
      %swap3A_242 = vector.shape_cast %swap3A_241 : vector<1x16xf32> to vector<16xf32>
      %swap3A_243 = vector.shape_cast %scan3A_225#1 : vector<16xf32> to vector<1x16xf32>
      tpu.vector_store %arg7[%swap3A_239, %swap3A_240], %swap3A_243 {strides = array<i32>} : memref<128x128xf32, #tpu.memory_space<vmem>>, vector<1x16xf32>,
      %swap3A_244 = arith.index_cast %add3A_167 : i32 to index
      %swap3A_245 = arith.constant 32 : index
      %swap3A_246 = tpu.vector_load %arg7[%swap3A_244, %swap3A_245] {strides = array<i32>} : memref<128x128xf32, #tpu.memory_space<vmem>>, vector<1x16xf32>,
      %swap3A_247 = vector.shape_cast %swap3A_246 : vector<1x16xf32> to vector<16xf32>
      %swap3A_248 = vector.shape_cast %scan3A_225#2 : vector<16xf32> to vector<1x16xf32>
      tpu.vector_store %arg7[%swap3A_244, %swap3A_245], %swap3A_248 {strides = array<i32>} : memref<128x128xf32, #tpu.memory_space<vmem>>, vector<1x16xf32>,
      %swap3A_249 = arith.index_cast %add3A_167 : i32 to index
      %swap3A_250 = arith.constant 48 : index
      %swap3A_251 = tpu.vector_load %arg7[%swap3A_249, %swap3A_250] {strides = array<i32>} : memref<128x128xf32, #tpu.memory_space<vmem>>, vector<1x16xf32>,
      %swap3A_252 = vector.shape_cast %swap3A_251 : vector<1x16xf32> to vector<16xf32>
      %swap3A_253 = vector.shape_cast %scan3A_225#3 : vector<16xf32> to vector<1x16xf32>
      tpu.vector_store %arg7[%swap3A_249, %swap3A_250], %swap3A_253 {strides = array<i32>} : memref<128x128xf32, #tpu.memory_space<vmem>>, vector<1x16xf32>,
      %swap3A_254 = arith.index_cast %add3A_167 : i32 to index
      %swap3A_255 = arith.constant 64 : index
      %swap3A_256 = tpu.vector_load %arg7[%swap3A_254, %swap3A_255] {strides = array<i32>} : memref<128x128xf32, #tpu.memory_space<vmem>>, vector<1x16xf32>,
      %swap3A_257 = vector.shape_cast %swap3A_256 : vector<1x16xf32> to vector<16xf32>
      %swap3A_258 = vector.shape_cast %scan3A_225#4 : vector<16xf32> to vector<1x16xf32>
      tpu.vector_store %arg7[%swap3A_254, %swap3A_255], %swap3A_258 {strides = array<i32>} : memref<128x128xf32, #tpu.memory_space<vmem>>, vector<1x16xf32>,
      %swap3A_259 = arith.index_cast %add3A_167 : i32 to index
      %swap3A_260 = arith.constant 80 : index
      %swap3A_261 = tpu.vector_load %arg7[%swap3A_259, %swap3A_260] {strides = array<i32>} : memref<128x128xf32, #tpu.memory_space<vmem>>, vector<1x16xf32>,
      %swap3A_262 = vector.shape_cast %swap3A_261 : vector<1x16xf32> to vector<16xf32>
      %swap3A_263 = vector.shape_cast %scan3A_225#5 : vector<16xf32> to vector<1x16xf32>
      tpu.vector_store %arg7[%swap3A_259, %swap3A_260], %swap3A_263 {strides = array<i32>} : memref<128x128xf32, #tpu.memory_space<vmem>>, vector<1x16xf32>,
      %swap3A_264 = arith.index_cast %add3A_167 : i32 to index
      %swap3A_265 = arith.constant 96 : index
      %swap3A_266 = tpu.vector_load %arg7[%swap3A_264, %swap3A_265] {strides = array<i32>} : memref<128x128xf32, #tpu.memory_space<vmem>>, vector<1x16xf32>,
      %swap3A_267 = vector.shape_cast %swap3A_266 : vector<1x16xf32> to vector<16xf32>
      %swap3A_268 = vector.shape_cast %scan3A_225#6 : vector<16xf32> to vector<1x16xf32>
      tpu.vector_store %arg7[%swap3A_264, %swap3A_265], %swap3A_268 {strides = array<i32>} : memref<128x128xf32, #tpu.memory_space<vmem>>, vector<1x16xf32>,
      %swap3A_269 = arith.index_cast %add3A_167 : i32 to index
      %swap3A_270 = arith.constant 112 : index
      %swap3A_271 = tpu.vector_load %arg7[%swap3A_269, %swap3A_270] {strides = array<i32>} : memref<128x128xf32, #tpu.memory_space<vmem>>, vector<1x16xf32>,
      %swap3A_272 = vector.shape_cast %swap3A_271 : vector<1x16xf32> to vector<16xf32>
      %swap3A_273 = vector.shape_cast %scan3A_225#7 : vector<16xf32> to vector<1x16xf32>
      tpu.vector_store %arg7[%swap3A_269, %swap3A_270], %swap3A_273 {strides = array<i32>} : memref<128x128xf32, #tpu.memory_space<vmem>>, vector<1x16xf32>,
    }
    %scan3A_58 = arith.constant 64 : i32
    "tpu.region"() ({
      %run_scoped3A = tpu.sem_alloc : memref<!tpu.dma_semaphore, #tpu.memory_space<semaphore_mem>>
      %dma_start3A_59 = arith.constant 0 : i32
      %dma_start3A_60 = tpu.memref_slice %arg4[%mul3A_2, %dma_start3A_59] : memref<4096x128xf32, #tpu.memory_space<hbm>> -> memref<128x128xf32, #tpu.memory_space<hbm>>
      %dma_start3A_61 = arith.constant 0 : i32
      %dma_start3A_62 = tpu.memref_slice %arg4[%mul3A_2, %dma_start3A_61] : memref<4096x128xf32, #tpu.memory_space<hbm>> -> memref<128x128xf32, #tpu.memory_space<hbm>>
      tpu.enqueue_dma source(%arg7 : memref<128x128xf32, #tpu.memory_space<vmem>>) target(%dma_start3A_62 : memref<128x128xf32, #tpu.memory_space<hbm>>) target_semaphore(%run_scoped3A : memref<!tpu.dma_semaphore, #tpu.memory_space<semaphore_mem>>)
      %dma_wait3A = arith.constant 0 : i32
      %dma_wait3A_63 = tpu.memref_slice %arg4[%mul3A_2, %dma_wait3A] : memref<4096x128xf32, #tpu.memory_space<hbm>> -> memref<128x128xf32, #tpu.memory_space<hbm>>
      %dma_wait3A_64 = arith.constant 0 : i32
      %dma_wait3A_65 = tpu.memref_slice %arg4[%mul3A_2, %dma_wait3A_64] : memref<4096x128xf32, #tpu.memory_space<hbm>> -> memref<128x128xf32, #tpu.memory_space<hbm>>
      tpu.wait_dma2 semaphore(%run_scoped3A : memref<!tpu.dma_semaphore, #tpu.memory_space<semaphore_mem>>) src(%arg7 : memref<128x128xf32, #tpu.memory_space<vmem>>) dst(%dma_wait3A_65 : memref<128x128xf32, #tpu.memory_space<hbm>>)
      tpu.yield
    }) : () -> ()
    return
  }
}

module attributes {stable_mosaic.version = 14 : i64} {
  func.func @_mlp_body(%arg0: memref<4096x128xf32, #tpu.memory_space<vmem>>, %arg1: memref<256x128xf32, #tpu.memory_space<vmem>>, %arg2: memref<1x256xf32, #tpu.memory_space<vmem>>, %arg3: memref<128x256xf32, #tpu.memory_space<vmem>>, %arg4: memref<1x128xf32, #tpu.memory_space<vmem>>, %arg5: memref<4096x128xf32, #tpu.memory_space<vmem>>) attributes {dimension_semantics = [], scalar_prefetch = 0 : i64, scratch_operands = 0 : i64, tpu.core_type = #tpu.core_type<tc>} {
    %get3A = arith.constant 0 : index
    %get3A_0 = arith.constant 0 : index
    %get3A_1 = vector.load %arg0[%get3A, %get3A_0] : memref<4096x128xf32, #tpu.memory_space<vmem>>, vector<4096x128xf32>
    %get3A_2 = arith.constant 0 : index
    %get3A_3 = arith.constant 0 : index
    %get3A_4 = vector.load %arg1[%get3A_2, %get3A_3] : memref<256x128xf32, #tpu.memory_space<vmem>>, vector<256x128xf32>
    %dot_general3A = arith.constant dense<0.000000e+00> : vector<4096x256xf32>
    %dot_general3A_5 = tpu.matmul %get3A_1, %get3A_4, %dot_general3A {dimension_numbers = #tpu.dot_dimension_numbers<[1], [1], [0], [0], [0, 0, 1, 0], [], []>, transpose_lhs_hint = false} : vector<4096x128xf32>, vector<256x128xf32>, vector<4096x256xf32> -> vector<4096x256xf32>
    %get3A_6 = arith.constant 0 : index
    %get3A_7 = arith.constant 0 : index
    %get3A_8 = vector.load %arg2[%get3A_6, %get3A_7] : memref<1x256xf32, #tpu.memory_space<vmem>>, vector<1x256xf32>
    %add3A = vector.broadcast %get3A_8 : vector<1x256xf32> to vector<4096x256xf32>
    %add3A_9 = arith.addf %dot_general3A_5, %add3A : vector<4096x256xf32>
    %max3A = arith.constant 0.000000e+00 : f32
    %max3A_10 = vector.broadcast %max3A : f32 to vector<4096x256xf32>
    %max3A_11 = arith.maximumf %add3A_9, %max3A_10 : vector<4096x256xf32>
    %get3A_12 = arith.constant 0 : index
    %get3A_13 = arith.constant 0 : index
    %get3A_14 = vector.load %arg3[%get3A_12, %get3A_13] : memref<128x256xf32, #tpu.memory_space<vmem>>, vector<128x256xf32>
    %dot_general3A_15 = arith.constant dense<0.000000e+00> : vector<4096x128xf32>
    %dot_general3A_16 = tpu.matmul %max3A_11, %get3A_14, %dot_general3A_15 {dimension_numbers = #tpu.dot_dimension_numbers<[1], [1], [0], [0], [0, 0, 1, 0], [], []>, transpose_lhs_hint = false} : vector<4096x256xf32>, vector<128x256xf32>, vector<4096x128xf32> -> vector<4096x128xf32>
    %get3A_17 = arith.constant 0 : index
    %get3A_18 = arith.constant 0 : index
    %get3A_19 = vector.load %arg4[%get3A_17, %get3A_18] : memref<1x128xf32, #tpu.memory_space<vmem>>, vector<1x128xf32>
    %add3A_20 = vector.broadcast %get3A_19 : vector<1x128xf32> to vector<4096x128xf32>
    %add3A_21 = arith.addf %dot_general3A_16, %add3A_20 : vector<4096x128xf32>
    %swap3A = arith.constant 0 : index
    %swap3A_22 = arith.constant 0 : index
    %swap3A_23 = vector.load %arg5[%swap3A, %swap3A_22] : memref<4096x128xf32, #tpu.memory_space<vmem>>, vector<4096x128xf32>
    tpu.vector_store %arg5[%swap3A, %swap3A_22], %add3A_21 {strides = array<i32>} : memref<4096x128xf32, #tpu.memory_space<vmem>>, vector<4096x128xf32>,
    return
  }
}

</mosaic_0001>

<sc_bundles>
// kernel: kernel.4.cloned.1.call-start
scs
__scs_entry_jumppad:
0x0: {  	(pc) =	sbr.rel $0x88, $3  }
0x1: {  	(tag) =	ssettag $0x0;
	lr =	simm.s32 $0x1  }
0x2: {  	[smem:$0x3F9B] =	sst lr;
	_ =	strace $0xD0000000  }
0x3: {  	_ = 	snop  }
0x4: {  	_ = 	snop  }
0x5: {  	_ = 	snop  }
0x6: {  	_ = 	snop  }
0x7: {  	_ = 	snop  }
__scs_overlays_trampoline_lowered:
0x8: {  	[smem:$0x3FAA] =	sst s0  }
0x9: {  	[smem:$0x3FAB] =	sst s1  }
0xa: {  	[smem:$0x3FAC] =	sst s2  }
0xb: {  	[smem:$0x3FAD] =	sst s3  }
0xc: {  	[smem:$0x3FAE] =	sst s4  }
0xd: {  	[smem:$0x3FAF] =	sst s5  }
0xe: {  	[smem:$0x3FB0] =	sst s6  }
0xf: {  	[smem:$0x3FB1] =	sst s7  }
0x10: {  	[smem:$0x3FB2] =	sst s8  }
0x11: {  	[smem:$0x3FB3] =	sst s9;
	s0 =	simm.s32 @!p0 $0x0  }
0x12: {  	s1 =	sld [smem:$0x3F99];
	s0 =	simm.s32 @p0 $0x1  }
0x13: {  	[smem:$0x3FB4] =	sst s0;
	s0 =	simm.s32 @!p1 $0x0  }
0x14: {  	s2 =	sld [smem:$0x3F98];
	s0 =	simm.s32 @p1 $0x1  }
0x15: {  	[smem:$0x3FB5] =	sst s0;
	s0 =	simm.s32 @!p2 $0x0  }
0x16: {  	s3 =	sld [smem:$0x3FDB];
	s0 =	simm.s32 @p2 $0x1  }
0x17: {  	s4 =	simm.s32 $0x1BF5;
	[smem:$0x3FB7] =	sst s0  }
0x18: {  	s0 =	sld [smem:$0x3F9A];
	_ =	swait.ge [sflag:s4], $0x0  }
0x19: {  	s7 =	sld [smem:$0x3F9B]  }
0x1a: {  	s8 =	sadd.s32 $0xFFFFE003, lr  }
0x1b: {  	s9 =	sadd.s32 $0xFFFFFEF7, lr;
	s5 =	simm.s32 $0xFFFFFFFF;
	p2 =	slt.u32 s8, $0xFFFFF086  }
0x1c: {  	p1 =	slt.u32 s9, $0xF7A;
	s5 =	simm.s32 @!p2 $0x0  }
0x1d: {  	s5 =	simm.s32 @p1 $0x1;
	p0 =	seq.s32 s7, s2  }
0x1e: {  	s7 =	smul.u32 @!p0 $0xF7A, s2;
	p2 =	seq.s32 @!p0 s5, $0x0  }
0x1f: {  	s9 =	smul.u32 $0xF7A, s1;
	s8 =	simm.s32 @!p0 $0x1BF5;
	p2 =	por !p2, p0  }
0x20: {  	[sflag:s8] =	ssyncset.s32 @!p0 $0xFFFFF086;
	s6 =	sadd.s32 @!p0 s3, s7;
	s7 =	simm.s32 @!p0 $0x108  }
0x21: {  	s3 =	sadd.s32 s3, s9;
	s6 =	sadd.s32 @!p0 $0x88, s6;
	s7 =	simm.s32 @p2 $0x1082  }
0x22: {  	[simem:s7], [sflag:s8] =	dma.local @!p0 [hbm:s6], $0xF7A  }
0x23: {  	s9 =	sor.u32 $0xD0000000, s2;
	s6 =	simm.s32 $0x108;
	_ =	swait.ge @!p0 [sflag:s8], $0x0  }
0x24: {  	s3 =	sadd.s32 $0x88, s3;
	s6 =	simm.s32 @!p1 $0x1082;
	[sflag:s4] =	ssyncset.s32 $0xFFFFF086  }
0x25: {  	[simem:s6], [sflag:s4] =	dma.local [hbm:s3], $0xF7A  }
0x26: {  	[smem:$0x3F9B] =	sst s1;
	(tag) =	ssettag s2;
	_ =	strace s9  }
0x27: {  	s1 =	sld [smem:$0x3FAB]  }
0x28: {  	s2 =	sld [smem:$0x3FAC]  }
0x29: {  	s4 =	sld [smem:$0x3FAE]  }
0x2a: {  	p0 =	seq.s32 s5, $0x0;
	s5 =	sld [smem:$0x3FAF]  }
0x2b: {  	s6 =	sld [smem:$0x3FB0]  }
0x2c: {  	s7 =	sld [smem:$0x3FB1]  }
0x2d: {  	s3 =	simm.s32 $0x108;
	s8 =	sld [smem:$0x3FB2]  }
0x2e: {  	s3 =	simm.s32 @!p0 $0x1082;
	s9 =	sld [smem:$0x3FB3]  }
0x2f: {  	lr =	sadd.s32 s0, s3;
	s0 =	sld [smem:$0x3FAA]  }
0x30: {  	s3 =	sld [smem:$0x3FAD]  }
0x31: {  	[smem:$0x3FB6] =	sst s10  }
0x32: {  	s10 =	sld [smem:$0x3FB4];
	_ =	sdelay $0x3  }
0x33: {  	p0 =	seq.s32 s10, $0x1;
	s10 =	sld [smem:$0x3FB6];
	_ =	sdelay $0x3  }
0x34: {  	[smem:$0x3FB6] =	sst s10  }
0x35: {  	s10 =	sld [smem:$0x3FB5];
	_ =	sdelay $0x3  }
0x36: {  	p1 =	seq.s32 s10, $0x1;
	s10 =	sld [smem:$0x3FB6];
	_ =	sdelay $0x3  }
0x37: {  	[smem:$0x3FB6] =	sst s10  }
0x38: {  	s10 =	sld [smem:$0x3FB7]  }
0x39: {  	_ = 	snop;
	(pc) =	sbr.ind lr, $3  }
0x3a: {  	_ = 	snop  }
0x3b: {  	_ = 	snop  }
0x3c: {  	p2 =	seq.s32 s10, $0x1;
	s10 =	sld [smem:$0x3FB6]  }
0x3d: {  	_ =	shalt  }
0x3e: {  	_ =	shalt  }
0x3f: {  	_ =	shalt  }
0x40: {  	_ =	shalt  }
0x41: {  	_ =	shalt  }
0x42: {  	_ =	shalt  }
0x43: {  	_ =	shalt  }
0x44: {  	_ =	shalt  }
0x45: {  	_ =	shalt  }
0x46: {  	_ =	shalt  }
0x47: {  	_ =	shalt  }
0x48: {  	_ =	shalt  }
0x49: {  	_ =	shalt  }
0x4a: {  	_ =	shalt  }
0x4b: {  	_ =	shalt  }
0x4c: {  	_ =	shalt  }
0x4d: {  	_ =	shalt  }
0x4e: {  	_ =	shalt  }
0x4f: {  	_ =	shalt  }
0x50: {  	_ =	shalt  }
0x51: {  	_ =	shalt  }
0x52: {  	_ =	shalt  }
0x53: {  	_ =	shalt  }
0x54: {  	_ =	shalt  }
0x55: {  	_ =	shalt  }
0x56: {  	_ =	shalt  }
0x57: {  	_ =	shalt  }
0x58: {  	_ =	shalt  }
0x59: {  	_ =	shalt  }
0x5a: {  	_ =	shalt  }
0x5b: {  	_ =	shalt  }
0x5c: {  	_ =	shalt  }
0x5d: {  	_ =	shalt  }
0x5e: {  	_ =	shalt  }
0x5f: {  	_ =	shalt  }
0x60: {  	_ =	shalt  }
0x61: {  	_ =	shalt  }
0x62: {  	_ =	shalt  }
0x63: {  	_ =	shalt  }
0x64: {  	_ =	shalt  }
0x65: {  	_ =	shalt  }
0x66: {  	_ =	shalt  }
0x67: {  	_ =	shalt  }
0x68: {  	_ =	shalt  }
0x69: {  	_ =	shalt  }
0x6a: {  	_ =	shalt  }
0x6b: {  	_ =	shalt  }
0x6c: {  	_ =	shalt  }
0x6d: {  	_ =	shalt  }
0x6e: {  	_ =	shalt  }
0x6f: {  	_ =	shalt  }
0x70: {  	_ =	shalt  }
0x71: {  	_ =	shalt  }
0x72: {  	_ =	shalt  }
0x73: {  	_ =	shalt  }
0x74: {  	_ =	shalt  }
0x75: {  	_ =	shalt  }
0x76: {  	_ =	shalt  }
0x77: {  	_ =	shalt  }
0x78: {  	_ =	shalt  }
0x79: {  	_ =	shalt  }
0x7a: {  	_ =	shalt  }
0x7b: {  	_ =	shalt  }
0x7c: {  	_ =	shalt  }
0x7d: {  	_ =	shalt  }
0x7e: {  	_ =	shalt  }
0x7f: {  	_ =	shalt  }
0x80: {  	_ =	shalt  }
0x81: {  	_ =	shalt  }
0x82: {  	_ =	shalt  }
0x83: {  	_ =	shalt  }
0x84: {  	_ =	shalt  }
0x85: {  	_ =	shalt  }
0x86: {  	_ =	shalt  }
0x87: {  	_ =	shalt  }
.Lfunc_end0:
.L_simem_size_0:
called_computation_lowered:
.L_overlay_start_0:
0x88: {  	s2 =	sld [smem:$0x3FD9]  }
0x89: {  	s3 =	sld [smem:$0x3FFE];
	_ =	sdelay $0x1  }
0x8a: {  	s1 =	srdreg.scid  }
0x8b: {  	s0 =	sand.u32 $0x1, s1  }
0x8c: {  	s17 =	sshll.u32 s0, $0xA;
	s2 =	sadd.s32 s3, s2  }
0x8d: {  	s2 =	sadd.s32 s2, s17  }
0x8e: {  	[smem:$0x3FC2] =	sst s2  }
0x8f: {  	_ = 	snop  }
0x90: {  	s2 =	sld [smem:$0x3FC8]  }
0x91: {  	s18 =	sld [smem:$0x3FD0];
	(tm) =	ssettm $0x1  }
0x92: {  	s4 =	sld [smem:$0x3FFB];
	_ =	sdelay $0x3  }
0x93: {  	_ =	strace s4  }
0x94: {  	s4 =	sld [smem:$0x3FFC];
	_ =	sdelay $0x3  }
0x95: {  	_ =	strace s4  }
0x96: {  	s4 =	sld [smem:$0x3FFD];
	_ =	sdelay $0x3  }
0x97: {  	_ =	strace s4  }
0x98: {  	_ =	strace $0x8FFFFFFF  }
0x99: {  	s19 =	sld [smem:$0x3FDB];
	_ =	sdelay $0x1  }
0x9a: {  	s5 =	simm.s32 $_scs_section_size  }
0x9b: {  	s6 =	simm.s32 $_size__tile_overlayer_lowered;
	s7 =	simm.s32 $_tile_overlayer_lowered  }
0x9c: {  	s22 =	simm.s32 $0x1BFF;
	s21 =	sshll.u32 s7, $0x1;
	s4 =	sadd.s32 s5, s19  }
0x9d: {  	s8 =	simm.s32 $0x0;
	s20 =	sshll.u32 s6, $0x1;
	s6 =	sadd.s32 s21, s4  }
0x9e: {  	[timem:s8], [sflag:s22] =	dma.local [hbm:s6], s20  }
0x9f: {  	_ =	swait.ge [sflag:s22], s20  }
0xa0: {  	s5 =	ssub.s32 $0x0, s20;
	[sflag:s22] =	ssyncset.done $0x0  }
0xa1: {  	[sflag:s22] =	ssyncadd.s32 s5;
	_ =	sdelay $0x1  }
0xa2: {  	s23 =	simm.s32 $0x1B8B  }
0xa3: {  	_ =	swait.ge [sflag:s23], $0x1  }
0xa4: {  	[sflag:s23] =	ssyncset.done $0x0  }
0xa5: {  	s25 =	simm.s32 $0x1B8E;
	s24 =	sld [smem:$0x3FFE];
	[sflag:s23] =	ssyncadd.s32 $0xFFFFFFFF  }
0xa6: {  	s26 =	simm.s32 $execute0_lowered;
	[smem:$0x3FD2] =	sst s25  }
0xa7: {  	s6 =	sshll.u32 s26, $0x1;
	_ =	strace $0x80000046;
	[dreg:$0x1] =	wrdreg $0xFFFFFFFF  }
0xa8: {  	s28 =	simm.s32 $_size_execute0_lowered;
	s4 =	sadd.s32 s4, s6;
	[dreg:$0x0] =	wrdreg $0x0  }
0xa9: {  	s6 =	sshll.u32 s28, $0x1;
	[dreg:$0x2] =	wrdreg s4  }
0xaa: {  	[dreg:$0x3] =	wrdreg s6  }
0xab: {  	[dreg:$0x4] =	wrdreg $0xC0  }
0xac: {  	_ =	task [dreg:s8], $0x5FFFF  }
0xad: {  	[dreg:$0x1] =	wrdreg $0xFFFFFFFF  }
0xae: {  	[dreg:$0x0] =	wrdreg $0x60  }
0xaf: {  	[dreg:$0x2] =	wrdreg s24  }
0xb0: {  	[dreg:$0x3] =	wrdreg s2  }
0xb1: {  	[dreg:$0x4] =	wrdreg s18  }
0xb2: {  	[dreg:$0x5] =	wrdreg $0x9  }
0xb3: {  	_ =	task.clear_ibuf [dreg:s8], $0x6FFFF;
	_ =	strace $0x90000046  }
0xb4: {  	s29 =	simm.s32 $0x9;
	_ =	strace $0x80000048  }
0xb5: {  	_ =	swait.ge [sflag:s29], $0x1  }
0xb6: {  	[sflag:s29] =	ssyncadd.s32 $0xFFFFFFFF  }
0xb7: {  	_ =	strace $0x90000048  }
0xb8: {  	_ =	sfence  }
0xb9: {  	s30 =	sld [smem:$0x0];
	_ =	sdelay $0x2  }
0xba: {  	s31 =	sshll.u32 s1, $0xD;
	s1 =	sshrl.u32 s1, $0x2  }
0xbb: {  	s3 =	sand.u32 $0x4000, s31;
	s1 =	sadd.s32 s1, s30  }
0xbc: {  	s0 =	sor.u32 s3, s0;
	s1 =	sshll.u32 s1, $0x11  }
0xbd: {  	s0 =	sor.u32 s1, s0  }
0xbe: {  	s0 =	sadd.s32 $0x8F2B, s0  }
0xbf: {  	[sflag:s0] =	ssyncadd.remote.s32 $0x1  }
0xc0: {  	_ =	sfence.sel $0xFFFF  }
0xc1: {  	[dreg:$0x0] =	wrdreg $0xFFFFFFFF;
	(pc) =	sbr.abs _section_cstart, $3  }
0xc2: {  	[dreg:$0x1] =	wrdreg $0xFFFFFFFF  }
0xc3: {  	_ =	task.clear_ibuf [dreg:s8], $0x2FFFF;
	_ =	strace $0x9FFFFFFF  }
0xc4: {  	(tm) =	ssettm $0x7FFFFFFF  }
0xc5: {  	_ =	shalt  }
tec
execute0_lowered:
.L_overlay_start_1:
0x0: {  	(tag) =	ssettag $0x1  }
0x1: {  	s4 =	rddreg [dreg:$0x0]  }
0x2: {  	s2 =	rddreg [dreg:$0x1]  }
0x3: {  	s5 =	rddreg [dreg:$0x2];
	s3 =	srdreg.scid  }
0x4: {  	s0 =	rddreg [dreg:$0x3];
	s1 =	stileid.u32;
	s10 =	simm.s32 $0x80  }
0x5: {  	s11 =	simm.s32 $0xB400;
	s12 =	simm.s32 $0x100;
	s13 =	simm.s32 $0xE800  }
0x6: {  	s14 =	simm.s32 $0x180;
	s15 =	simm.s32 $0x11C00;
	s16 =	simm.s32 $0x1  }
0x7: {  	s17 =	simm.s32 $0x2;
	s18 =	simm.s32 $0x3;
	s19 =	simm.s32 $0x4  }
0x8: {  	s20 =	simm.s32 $0x15000;
	s21 =	simm.s32 $0x0;
	s6 =	sand.u32 $0x1, s3  }
0x9: {  	s3 =	simm.s32 $0x0;
	s7 =	sshll.u32 s1, $0x8;
	s8 =	sshll.u32 s6, $0x7  }
0xa: {  	[smem:$0x7FF] =	sst s3;
	s6 =	ssub.s32 $0x2, s6;
	s7 =	sor.u32 s8, s7  }
0xb: {  	_ =	strace $0x80000047;
	s9 =	sshrl.u32 s6, $0x1;
	s8 =	sshll.u32 s7, $0x5  }
0xc: {  	s6 =	ssub.s32 s6, s9;
	s7 =	sshll.u32 s7, $0x4;
	s9 =	simm.s32 $0x8000  }
0xd: {  	s4 =	sadd.s32 s8, s4;
	s5 =	sadd.s32 s5, s7;
	s6 =	smax.u32 s6, $0x1  }
0xe: {  	s7 =	simm.s32 $0x5;
	s8 =	simm.s32 $0x64;
	s4 =	sadd.s32 $0xE00, s4  }
.LBB2_1:
0xf: {  	[tilespmem:s3], [sflag:$0x5] =	stream.linear.gather [hbm4b:s4+s3], $0x8000, $0x38;
	[tilespmem:$0x19000] =	vst v63  }
0x10: {  	_ =	swait.ge [sflag:s7], $0x8000  }
0x11: {  	[sflag:s7] =	ssyncset.done $0x0  }
0x12: {  	[sflag:s7] =	ssyncadd.s32 $0xFFFF8000  }
0x13: {  	[tilespmem:s9], [sflag:$0x1] =	stream.indirect.gather [hbm4b:s2+s8], $0x80, s3, s8, $0xb8;
	[tilespmem:$0x19000] =	vst v63  }
0x14: {  	_ = 	snop  }
0x15: {  	[tilespmem:s11], [sflag:$0x2] =	stream.indirect.gather [hbm4b:s2+s8], $0x80, s10, s8, $0xb8;
	[tilespmem:$0x19000] =	vst v63  }
0x16: {  	_ = 	snop  }
0x17: {  	[tilespmem:s13], [sflag:$0x3] =	stream.indirect.gather [hbm4b:s2+s8], $0x80, s12, s8, $0xb8;
	[tilespmem:$0x19000] =	vst v63  }
0x18: {  	s22 =	simm.s32 $0x0  }
0x19: {  	[tilespmem:s15], [sflag:$0x4] =	stream.indirect.gather [hbm4b:s2+s8], $0x80, s14, s8, $0xb8;
	[tilespmem:$0x19000] =	vst v63  }
.LBB2_2:
0x1a: {  	_ =	swait.ge [sflag:s16], $0x3200  }
0x1b: {  	[sflag:s16] =	ssyncset.done $0x0  }
0x1c: {  	s23 =	simm.s32 $0x0;
	[sflag:s16] =	ssyncadd.s32 $0xFFFFCE00  }
0x1d: {  	v3 =	vld [tilespmem:s23+$0x8080]  }
0x1e: {  	v6 =	vld [tilespmem:s23+$0x8090]  }
0x1f: {  	v4 =	vld [tilespmem:s23+$0x80A0]  }
0x20: {  	v7 =	vld [tilespmem:s23+$0x80B0]  }
0x21: {  	v0 =	vld [tilespmem:s23+$0x80C0]  }
0x22: {  	v1 =	vld [tilespmem:s23+$0x80D0]  }
0x23: {  	v23 =	vld [tilespmem:s23+$0x8000]  }
0x24: {  	v25 =	vld [tilespmem:s23+$0x8010]  }
0x25: {  	v22 =	vld [tilespmem:s23+$0x8020]  }
0x26: {  	v24 =	vld [tilespmem:s23+$0x8030]  }
0x27: {  	v5 =	vimm.f32 $0.0e+00;
	v16 =	vimm.f32 $0.0e+00;
	v19 =	vld [tilespmem:s23+$0x8040]  }
0x28: {  	v17 =	vimm.f32 $0.0e+00;
	v18 =	vimm.f32 $0.0e+00;
	v12 =	vimm.f32 $0.0e+00;
	v20 =	vld [tilespmem:s23+$0x8050]  }
0x29: {  	s24 =	simm.s32 $0x400;
	v15 =	vimm.f32 $0.0e+00;
	v13 =	vimm.f32 $0.0e+00;
	v14 =	vimm.f32 $0.0e+00;
	v21 =	vld [tilespmem:s23+$0x8060]  }
.LBB2_3:
0x2a: {  	p0 =	sne.s32 s24, $0xC400;
	v2 =	vadd.f32 v23, v5;
	v8 =	vadd.f32 v25, v16;
	v9 =	vld [tilespmem:s23+$0x8070]  }
0x2b: {  	v10 =	vadd.f32 v22, v17;
	v11 =	vadd.f32 v24, v18;
	v22 =	vld [tilespmem:s23+$0x80E0]  }
0x2c: {  	v5 =	vadd.f32 v3, v2;
	v16 =	vadd.f32 v6, v8;
	v2 =	vld [tilespmem:s23+$0x80F0];
	s23 =	sshra.s32 s24, $0x2  }
0x2d: {  	v17 =	vadd.f32 v4, v10;
	v3 =	vld [tilespmem:s23+$0x8080];
	v18 =	vadd.f32 v7, v11  }
0x2e: {  	v8 =	vadd.f32 v19, v12;
	v10 =	vadd.f32 v20, v15;
	v6 =	vld [tilespmem:s23+$0x8090]  }
0x2f: {  	v11 =	vadd.f32 v21, v13;
	v4 =	vld [tilespmem:s23+$0x80A0];
	v9 =	vadd.f32 v9, v14  }
0x30: {  	v12 =	vadd.f32 v0, v8;
	v15 =	vadd.f32 v1, v10;
	v7 =	vld [tilespmem:s23+$0x80B0]  }
0x31: {  	v13 =	vadd.f32 v22, v11;
	v0 =	vld [tilespmem:s23+$0x80C0];
	v14 =	vadd.f32 v2, v9  }
0x32: {  	v1 =	vld [tilespmem:s23+$0x80D0]  }
0x33: {  	v23 =	vld [tilespmem:s23+$0x8000]  }
0x34: {  	v25 =	vld [tilespmem:s23+$0x8010]  }
.Ltmp0:
0x35: {  	v22 =	vld [tilespmem:s23+$0x8020];
	(pc) =	sbr.rel @p0 .LBB2_3-.Ltmp0, $4  }
0x36: {  	v24 =	vld [tilespmem:s23+$0x8030]  }
0x37: {  	v19 =	vld [tilespmem:s23+$0x8040]  }
0x38: {  	v20 =	vld [tilespmem:s23+$0x8050]  }
0x39: {  	s24 =	sadd.s32 $0x400, s24;
	v21 =	vld [tilespmem:s23+$0x8060]  }
0x3a: {  	s24 =	sshll.u32 s22, $0x1  }
0x3b: {  	v26 =	vld [tilespmem:s23+$0x8070];
	p0 =	seq.s32 s22, $0x3F;
	s25 =	sadd.s32 $0x2, s24  }
0x3c: {  	v27 =	vld [tilespmem:s23+$0x80E0];
	s25 =	sshll.u32 @!p0 s25, $0x8  }
0x3d: {  	v28 =	vld [tilespmem:s23+$0x80F0];
	s26 =	simm.s32 @!p0 $0x8000;
	s23 =	sand.u32 @!p0 $0x3FFFFF00, s25;
	s25 =	simm.s32 @!p0 $0x64  }
0x3e: {  	[tilespmem:s26], [sflag:$0x1] =	stream.indirect.gather @!p0 [hbm4b:s2+s25], $0x80, s23, s25, $0xb8;
	[tilespmem:$0x19000] =	vst v63  }
0x3f: {  	_ =	swait.ge [sflag:s17], $0x3200  }
0x40: {  	[sflag:s17] =	ssyncset.done $0x0  }
0x41: {  	s25 =	simm.s32 $0x0;
	[sflag:s17] =	ssyncadd.s32 $0xFFFFCE00  }
0x42: {  	v9 =	vld [tilespmem:s25+$0xB480]  }
0x43: {  	v11 =	vld [tilespmem:s25+$0xB490]  }
0x44: {  	v8 =	vld [tilespmem:s25+$0xB4A0]  }
0x45: {  	v10 =	vld [tilespmem:s25+$0xB4B0]  }
0x46: {  	v2 =	vld [tilespmem:s25+$0xB4C0]  }
0x47: {  	v29 =	vadd.f32 v23, v5;
	v16 =	vadd.f32 v25, v16;
	v5 =	vld [tilespmem:s25+$0xB4D0]  }
0x48: {  	v22 =	vadd.f32 v22, v17;
	v24 =	vadd.f32 v24, v18;
	v23 =	vld [tilespmem:s25+$0xB400]  }
0x49: {  	v17 =	vadd.f32 v3, v29;
	v3 =	vadd.f32 v6, v16;
	v18 =	vld [tilespmem:s25+$0xB410]  }
0x4a: {  	v16 =	vadd.f32 v4, v22;
	v6 =	vadd.f32 v19, v12;
	v22 =	vld [tilespmem:s25+$0xB420]  }
0x4b: {  	v4 =	vadd.f32 v7, v24;
	v19 =	vadd.f32 v20, v15;
	v15 =	vld [tilespmem:s25+$0xB430]  }
0x4c: {  	v20 =	vadd.f32 v21, v13;
	v14 =	vadd.f32 v26, v14;
	v12 =	vld [tilespmem:s25+$0xB440]  }
0x4d: {  	v7 =	vadd.f32 v0, v6;
	v1 =	vadd.f32 v1, v19;
	v13 =	vld [tilespmem:s25+$0xB450]  }
0x4e: {  	s26 =	simm.s32 $0x400;
	v6 =	vadd.f32 v27, v20;
	v0 =	vadd.f32 v28, v14;
	v14 =	vld [tilespmem:s25+$0xB460]  }
.LBB2_5:
0x4f: {  	p1 =	sne.s32 s26, $0xC400;
	v17 =	vadd.f32 v23, v17;
	v3 =	vadd.f32 v18, v3;
	v18 =	vld [tilespmem:s25+$0xB470]  }
0x50: {  	v16 =	vadd.f32 v22, v16;
	v4 =	vadd.f32 v15, v4;
	v15 =	vld [tilespmem:s25+$0xB4E0]  }
0x51: {  	v17 =	vadd.f32 v9, v17;
	v3 =	vadd.f32 v11, v3;
	v19 =	vld [tilespmem:s25+$0xB4F0];
	s25 =	sshra.s32 s26, $0x2  }
0x52: {  	v16 =	vadd.f32 v8, v16;
	v9 =	vld [tilespmem:s25+$0xB480];
	v4 =	vadd.f32 v10, v4  }
0x53: {  	v7 =	vadd.f32 v12, v7;
	v1 =	vadd.f32 v13, v1;
	v11 =	vld [tilespmem:s25+$0xB490]  }
0x54: {  	v6 =	vadd.f32 v14, v6;
	v8 =	vld [tilespmem:s25+$0xB4A0];
	v0 =	vadd.f32 v18, v0  }
0x55: {  	v7 =	vadd.f32 v2, v7;
	v1 =	vadd.f32 v5, v1;
	v10 =	vld [tilespmem:s25+$0xB4B0]  }
0x56: {  	v6 =	vadd.f32 v15, v6;
	v2 =	vld [tilespmem:s25+$0xB4C0];
	v0 =	vadd.f32 v19, v0  }
0x57: {  	v5 =	vld [tilespmem:s25+$0xB4D0]  }
0x58: {  	v23 =	vld [tilespmem:s25+$0xB400]  }
0x59: {  	v18 =	vld [tilespmem:s25+$0xB410]  }
.Ltmp1:
0x5a: {  	v22 =	vld [tilespmem:s25+$0xB420];
	(pc) =	sbr.rel @p1 .LBB2_5-.Ltmp1, $4  }
0x5b: {  	v15 =	vld [tilespmem:s25+$0xB430]  }
0x5c: {  	v12 =	vld [tilespmem:s25+$0xB440]  }
0x5d: {  	v13 =	vld [tilespmem:s25+$0xB450]  }
0x5e: {  	s26 =	sadd.s32 $0x400, s26;
	v14 =	vld [tilespmem:s25+$0xB460]  }
0x5f: {  	v19 =	vld [tilespmem:s25+$0xB470]  }
0x60: {  	v20 =	vld [tilespmem:s25+$0xB4E0];
	v17 =	vadd.f32 v23, v17;
	s23 =	sor.u32 @!p0 $0x80, s23  }
0x61: {  	v21 =	vld [tilespmem:s25+$0xB4F0];
	s25 =	simm.s32 @!p0 $0x64;
	s26 =	simm.s32 @!p0 $0xB400;
	v3 =	vadd.f32 v18, v3;
	s31 =	sshll.u32 s22, $0x8  }
0x62: {  	v16 =	vadd.f32 v22, v16;
	[tilespmem:s26], [sflag:$0x2] =	stream.indirect.gather @!p0 [hbm4b:s2+s25], $0x80, s23, s25, $0xb8;
	v9 =	vadd.f32 v9, v17;
	[tilespmem:$0x19000] =	vst v63  }
0x63: {  	v4 =	vadd.f32 v15, v4;
	s23 =	sand.u32 $0x3FFFFF00, s31;
	v3 =	vadd.f32 v11, v3  }
0x64: {  	v8 =	vadd.f32 v8, v16;
	v7 =	vadd.f32 v12, v7;
	[tilespmem:s23+$0x15000] =	vst v9  }
0x65: {  	v4 =	vadd.f32 v10, v4;
	v1 =	vadd.f32 v13, v1;
	[tilespmem:s23+$0x15010] =	vst v3  }
0x66: {  	v3 =	vadd.f32 v14, v6;
	v2 =	vadd.f32 v2, v7;
	[tilespmem:s23+$0x15020] =	vst v8  }
0x67: {  	v0 =	vadd.f32 v19, v0;
	v1 =	vadd.f32 v5, v1;
	[tilespmem:s23+$0x15030] =	vst v4  }
0x68: {  	v3 =	vadd.f32 v20, v3;
	[tilespmem:s23+$0x15040] =	vst v2  }
0x69: {  	v0 =	vadd.f32 v21, v0;
	[tilespmem:s23+$0x15050] =	vst v1  }
0x6a: {  	[tilespmem:s23+$0x15060] =	vst v3  }
0x6b: {  	[tilespmem:s23+$0x15070] =	vst v0  }
0x6c: {  	_ =	swait.ge [sflag:s18], $0x3200  }
0x6d: {  	[sflag:s18] =	ssyncset.done $0x0  }
0x6e: {  	s25 =	simm.s32 $0x0;
	[sflag:s18] =	ssyncadd.s32 $0xFFFFCE00  }
0x6f: {  	v3 =	vld [tilespmem:s25+$0xE880]  }
0x70: {  	v6 =	vld [tilespmem:s25+$0xE890]  }
0x71: {  	v4 =	vld [tilespmem:s25+$0xE8A0]  }
0x72: {  	v7 =	vld [tilespmem:s25+$0xE8B0]  }
0x73: {  	v0 =	vld [tilespmem:s25+$0xE8C0]  }
0x74: {  	v1 =	vld [tilespmem:s25+$0xE8D0]  }
0x75: {  	v23 =	vld [tilespmem:s25+$0xE800]  }
0x76: {  	v25 =	vld [tilespmem:s25+$0xE810]  }
0x77: {  	v22 =	vld [tilespmem:s25+$0xE820]  }
0x78: {  	v24 =	vld [tilespmem:s25+$0xE830]  }
0x79: {  	v18 =	vimm.f32 $0.0e+00;
	v15 =	vimm.f32 $0.0e+00;
	v19 =	vld [tilespmem:s25+$0xE840]  }
0x7a: {  	v16 =	vimm.f32 $0.0e+00;
	v17 =	vimm.f32 $0.0e+00;
	v12 =	vimm.f32 $0.0e+00;
	v20 =	vld [tilespmem:s25+$0xE850]  }
0x7b: {  	s26 =	simm.s32 $0x400;
	v13 =	vimm.f32 $0.0e+00;
	v14 =	vimm.f32 $0.0e+00;
	v5 =	vimm.f32 $0.0e+00;
	v21 =	vld [tilespmem:s25+$0xE860]  }
.LBB2_7:
0x7c: {  	p1 =	sne.s32 s26, $0xC400;
	v2 =	vadd.f32 v23, v5;
	v8 =	vadd.f32 v25, v16;
	v9 =	vld [tilespmem:s25+$0xE870]  }
0x7d: {  	v10 =	vadd.f32 v22, v17;
	v11 =	vadd.f32 v24, v18;
	v22 =	vld [tilespmem:s25+$0xE8E0]  }
0x7e: {  	v5 =	vadd.f32 v3, v2;
	v16 =	vadd.f32 v6, v8;
	v2 =	vld [tilespmem:s25+$0xE8F0];
	s25 =	sshra.s32 s26, $0x2  }
0x7f: {  	v17 =	vadd.f32 v4, v10;
	v3 =	vld [tilespmem:s25+$0xE880];
	v18 =	vadd.f32 v7, v11  }
0x80: {  	v8 =	vadd.f32 v19, v12;
	v10 =	vadd.f32 v20, v15;
	v6 =	vld [tilespmem:s25+$0xE890]  }
0x81: {  	v11 =	vadd.f32 v21, v13;
	v4 =	vld [tilespmem:s25+$0xE8A0];
	v9 =	vadd.f32 v9, v14  }
0x82: {  	v12 =	vadd.f32 v0, v8;
	v15 =	vadd.f32 v1, v10;
	v7 =	vld [tilespmem:s25+$0xE8B0]  }
0x83: {  	v13 =	vadd.f32 v22, v11;
	v0 =	vld [tilespmem:s25+$0xE8C0];
	v14 =	vadd.f32 v2, v9  }
0x84: {  	v1 =	vld [tilespmem:s25+$0xE8D0]  }
0x85: {  	v23 =	vld [tilespmem:s25+$0xE800]  }
0x86: {  	v25 =	vld [tilespmem:s25+$0xE810]  }
.Ltmp2:
0x87: {  	v22 =	vld [tilespmem:s25+$0xE820];
	(pc) =	sbr.rel @p1 .LBB2_7-.Ltmp2, $4  }
0x88: {  	v24 =	vld [tilespmem:s25+$0xE830]  }
0x89: {  	v19 =	vld [tilespmem:s25+$0xE840]  }
0x8a: {  	v20 =	vld [tilespmem:s25+$0xE850]  }
0x8b: {  	s26 =	sadd.s32 $0x400, s26;
	v21 =	vld [tilespmem:s25+$0xE860]  }
0x8c: {  	v26 =	vld [tilespmem:s25+$0xE870];
	s24 =	sadd.s32 $0x3, s24  }
0x8d: {  	v27 =	vld [tilespmem:s25+$0xE8E0];
	s24 =	sshll.u32 @!p0 s24, $0x8  }
0x8e: {  	v28 =	vld [tilespmem:s25+$0xE8F0];
	s25 =	simm.s32 @!p0 $0x64;
	s26 =	simm.s32 @!p0 $0xE800;
	s24 =	sand.u32 @!p0 $0x3FFFFF00, s24  }
0x8f: {  	[tilespmem:s26], [sflag:$0x3] =	stream.indirect.gather @!p0 [hbm4b:s2+s25], $0x80, s24, s25, $0xb8;
	[tilespmem:$0x19000] =	vst v63  }
0x90: {  	_ =	swait.ge [sflag:s19], $0x3200  }
0x91: {  	[sflag:s19] =	ssyncset.done $0x0  }
0x92: {  	s25 =	simm.s32 $0x0;
	[sflag:s19] =	ssyncadd.s32 $0xFFFFCE00  }
0x93: {  	v11 =	vld [tilespmem:s25+$0x11C80]  }
0x94: {  	v10 =	vld [tilespmem:s25+$0x11C90]  }
0x95: {  	v8 =	vld [tilespmem:s25+$0x11CA0]  }
0x96: {  	v9 =	vld [tilespmem:s25+$0x11CB0]  }
0x97: {  	v2 =	vld [tilespmem:s25+$0x11CC0]  }
0x98: {  	v23 =	vadd.f32 v23, v5;
	v16 =	vadd.f32 v25, v16;
	v5 =	vld [tilespmem:s25+$0x11CD0]  }
0x99: {  	v25 =	vadd.f32 v22, v17;
	v24 =	vadd.f32 v24, v18;
	v22 =	vld [tilespmem:s25+$0x11C00]  }
0x9a: {  	v17 =	vadd.f32 v3, v23;
	v16 =	vadd.f32 v6, v16;
	v23 =	vld [tilespmem:s25+$0x11C10]  }
0x9b: {  	v18 =	vadd.f32 v4, v25;
	v3 =	vadd.f32 v7, v24;
	v24 =	vld [tilespmem:s25+$0x11C20]  }
0x9c: {  	v4 =	vadd.f32 v19, v12;
	v12 =	vadd.f32 v20, v15;
	v15 =	vld [tilespmem:s25+$0x11C30]  }
0x9d: {  	v13 =	vadd.f32 v21, v13;
	v14 =	vadd.f32 v26, v14;
	v7 =	vld [tilespmem:s25+$0x11C40]  }
0x9e: {  	v6 =	vadd.f32 v0, v4;
	v1 =	vadd.f32 v1, v12;
	v12 =	vld [tilespmem:s25+$0x11C50]  }
0x9f: {  	s26 =	simm.s32 $0x400;
	v4 =	vadd.f32 v27, v13;
	v0 =	vadd.f32 v28, v14;
	v13 =	vld [tilespmem:s25+$0x11C60]  }
.LBB2_9:
0xa0: {  	p1 =	sne.s32 s26, $0xC400;
	v14 =	vadd.f32 v22, v17;
	v16 =	vadd.f32 v23, v16;
	v19 =	vld [tilespmem:s25+$0x11C70]  }
0xa1: {  	v18 =	vadd.f32 v24, v18;
	v3 =	vadd.f32 v15, v3;
	v15 =	vld [tilespmem:s25+$0x11CE0]  }
0xa2: {  	v17 =	vadd.f32 v11, v14;
	v16 =	vadd.f32 v10, v16;
	v14 =	vld [tilespmem:s25+$0x11CF0];
	s25 =	sshra.s32 s26, $0x2  }
0xa3: {  	v18 =	vadd.f32 v8, v18;
	v11 =	vld [tilespmem:s25+$0x11C80];
	v3 =	vadd.f32 v9, v3  }
0xa4: {  	v6 =	vadd.f32 v7, v6;
	v1 =	vadd.f32 v12, v1;
	v10 =	vld [tilespmem:s25+$0x11C90]  }
0xa5: {  	v4 =	vadd.f32 v13, v4;
	v8 =	vld [tilespmem:s25+$0x11CA0];
	v0 =	vadd.f32 v19, v0  }
0xa6: {  	v6 =	vadd.f32 v2, v6;
	v1 =	vadd.f32 v5, v1;
	v9 =	vld [tilespmem:s25+$0x11CB0]  }
0xa7: {  	v4 =	vadd.f32 v15, v4;
	v2 =	vld [tilespmem:s25+$0x11CC0];
	v0 =	vadd.f32 v14, v0  }
0xa8: {  	v5 =	vld [tilespmem:s25+$0x11CD0]  }
0xa9: {  	v22 =	vld [tilespmem:s25+$0x11C00]  }
0xaa: {  	v23 =	vld [tilespmem:s25+$0x11C10]  }
.Ltmp3:
0xab: {  	v24 =	vld [tilespmem:s25+$0x11C20];
	(pc) =	sbr.rel @p1 .LBB2_9-.Ltmp3, $4  }
0xac: {  	v15 =	vld [tilespmem:s25+$0x11C30]  }
0xad: {  	v7 =	vld [tilespmem:s25+$0x11C40]  }
0xae: {  	v12 =	vld [tilespmem:s25+$0x11C50]  }
0xaf: {  	s26 =	sadd.s32 $0x400, s26;
	v13 =	vld [tilespmem:s25+$0x11C60]  }
0xb0: {  	v14 =	vadd.f32 v22, v17;
	v61 =	vld [tilespmem:s25+$0x11C70]  }
0xb1: {  	v16 =	vadd.f32 v23, v16;
	v19 =	vld [tilespmem:s25+$0x11CE0]  }
0xb2: {  	v18 =	vadd.f32 v24, v18;
	v62 =	vld [tilespmem:s25+$0x11CF0];
	s24 =	sor.u32 @!p0 $0x80, s24;
	s25 =	simm.s32 @!p0 $0x64;
	s26 =	simm.s32 @!p0 $0x11C00;
	v11 =	vadd.f32 v11, v14  }
0xb3: {  	v3 =	vadd.f32 v15, v3;
	[tilespmem:s26], [sflag:$0x4] =	stream.indirect.gather @!p0 [hbm4b:s2+s25], $0x80, s24, s25, $0xb8;
	v10 =	vadd.f32 v10, v16;
	[tilespmem:$0x19000] =	vst v63  }
0xb4: {  	v8 =	vadd.f32 v8, v18;
	v6 =	vadd.f32 v7, v6;
	[tilespmem:s23+$0x15080] =	vst v11  }
0xb5: {  	s22 =	sadd.s32 $0x1, s22;
	v3 =	vadd.f32 v9, v3;
	v1 =	vadd.f32 v12, v1;
	[tilespmem:s23+$0x15090] =	vst v10  }
0xb6: {  	p0 =	sne.s32 s22, $0x40;
	v4 =	vadd.f32 v13, v4;
	v2 =	vadd.f32 v2, v6;
	[tilespmem:s23+$0x150A0] =	vst v8  }
.Ltmp4:
0xb7: {  	v0 =	vadd.f32 v61, v0;
	v1 =	vadd.f32 v5, v1;
	[tilespmem:s23+$0x150B0] =	vst v3;
	(pc) =	sbr.rel @p0 .LBB2_2-.Ltmp4, $4  }
0xb8: {  	v63 =	vadd.f32 v19, v4;
	[tilespmem:s23+$0x150C0] =	vst v2  }
0xb9: {  	v0 =	vadd.f32 v62, v0;
	[tilespmem:s23+$0x150D0] =	vst v1  }
0xba: {  	[tilespmem:s23+$0x150E0] =	vst v63  }
0xbb: {  	[tilespmem:s23+$0x150F0] =	vst v0  }
0xbc: {  	s21 =	sadd.s32 $0x1, s21  }
0xbd: {  	p0 =	sne.s32 s21, s6  }
.Ltmp5:
0xbe: {  	_ = 	snop;
	(pc) =	sbr.rel @p0 .LBB2_1-.Ltmp5, $4  }
0xbf: {  	[hbm4b:s5+s3] =	stream.linear.scatter [tilespmem:s20], [sflag:$0x5], $0x4000, $0x38;
	[tilespmem:$0x19000] =	vst v63  }
0xc0: {  	_ =	swait.ge [sflag:s7], $0x4000  }
0xc1: {  	[sflag:s7] =	ssyncset.done $0x0  }
0xc2: {  	[sflag:s7] =	ssyncadd.s32 $0xFFFFC000  }
0xc3: {  	_ =	sfence.sel $0x180000  }
0xc4: {  	[bflag:$0x0] =	sbarrier.arrive $0xFFFF  }
0xc5: {  	p0 =	sne.s32 s1, $0x0;
	_ =	strace $0x90000047  }
0xc6: {  	s0 =	sadd.s32 @!p0 $0x100000, s0;
	[bflag:$0x2] =	sbarrier.arrive $0xFFFF  }
0xc7: {  	[sflag:s0] =	ssyncadd.tile.s32 @!p0 $0x1;
	_ =	shalt  }
.Lfunc_end2:
_tile_overlayer_lowered:
.L_overlay_start_2:
0xc8: {  	(tag) =	ssettag $0x2  }
0xc9: {  	s0 =	rddreg [dreg:$0x0];
	s2 =	stileid.u32  }
0xca: {  	s1 =	rddreg [dreg:$0x1];
	p0 =	sne.s32 s2, $0x0  }
0xcb: {  	s3 =	rddreg [dreg:$0x2];
	[bflag:$0x3] =	sbarrier.arrive $0xFFFF;
	s2 =	simm.s32 @!p0 $0x1C05  }
0xcc: {  	[timem:s3], [sflag:s2] =	dma.local @!p0 [hbm:s0], s1  }
0xcd: {  	s0 =	simm.s32 @!p0 $0x5  }
0xce: {  	_ =	swait.ge @!p0 [sflag:s0], s1  }
0xcf: {  	s1 =	ssub.s32 @!p0 $0x0, s1;
	[sflag:s0] =	ssyncset.done @!p0 $0x0  }
0xd0: {  	[sflag:s0] =	ssyncadd.s32 @!p0 s1  }
0xd1: {  	[bflag:$0x3] =	sbarrier.arrive $0xFFFF  }
0xd2: {  	_ =	shalt  }

</sc_bundles>
